<compile_context>
chip_gen: v7x
topology: tpu7x:2x2x1
jax: 0.10.2.dev20260603
libtpu: 0.0.44.dev20260713+nightly
codegen_flags: <defaults>
</compile_context>

<pallas_src>
import functools

import jax
import jax.numpy as jnp
import numpy as np
from jax import lax
from jax.experimental import pallas as pl
from jax.experimental.pallas import tpu as pltpu
from jax.experimental.pallas import tpu_sc as plsc

N_NODES = 10000
N_EDGES = 640000
F = 16
ALPHA = 0.25

KC = 1
E_CH = N_EDGES // KC
NC, NS = 2, 16
NW = NC * NS
CH = 16
CHE = CH * 128
E_CH_PAD = -(-E_CH // (NW * CHE)) * NW * CHE
N_LOOP = E_CH_PAD // (NW * CHE)
EPW = E_CH_PAD // NW

N_ACC = 10016
DUMP = N_NODES
ACC_PER_S = N_ACC // NS

BE = 4000
NBC = E_CH // BE


def _sc_mesh():
    return plsc.VectorSubcoreMesh(
        core_axis_name="c", subcore_axis_name="s",
        num_cores=NC, num_subcores=NS)


@functools.lru_cache(maxsize=1)
def _build_gather():
    @functools.partial(
        pl.kernel,
        out_type=jax.ShapeDtypeStruct((E_CH_PAD, F), jnp.float32),
        mesh=_sc_mesh(),
        compiler_params=pltpu.CompilerParams(use_tc_tiling_on_sc=False),
        scratch_types=[
            pltpu.VMEM((CHE,), jnp.int32),
            pltpu.VMEM((CHE, F), jnp.float32),
            pltpu.SemaphoreType.DMA,
        ],
    )
    def gather_rows(x_hbm, src_hbm, out_hbm, idx_v, rows_v, sem):
        wid = lax.axis_index("s") * NC + lax.axis_index("c")
        base = wid * EPW

        def chunk(t, _):
            e0 = base + t * CHE
            pltpu.sync_copy(src_hbm.at[pl.ds(e0, CHE)], idx_v)
            pltpu.async_copy(x_hbm.at[idx_v], rows_v, sem).wait()
            pltpu.sync_copy(rows_v, out_hbm.at[pl.ds(e0, CHE)])
            return ()

        lax.fori_loop(0, N_LOOP, chunk, ())

    return gather_rows


@functools.lru_cache(maxsize=1)
def _build_scatter():
    @functools.partial(
        pl.kernel,
        out_type=(
            jax.ShapeDtypeStruct((NC, N_ACC, F), jnp.float32),
            jax.ShapeDtypeStruct((NC, N_ACC, F), jnp.float32),
        ),
        mesh=_sc_mesh(),
        compiler_params=pltpu.CompilerParams(use_tc_tiling_on_sc=False),
        scratch_types=[
            pltpu.VMEM((CHE,), jnp.int32),
            pltpu.VMEM((CHE, F), jnp.float32),
            pltpu.VMEM((CHE, F), jnp.float32),
            pltpu.VMEM_SHARED((N_ACC, F), jnp.float32),
            pltpu.VMEM_SHARED((N_ACC, F), jnp.float32),
        ],
    )
    def scatter_sum(tp_hbm, dst_hbm, zeros_hbm, ones_hbm, psum_hbm, pcnt_hbm,
                    idx_v, vals_v, ones_v, acc_sh, cnt_sh):
        c = lax.axis_index("c")
        s = lax.axis_index("s")
        wid = s * NC + c
        base = wid * EPW

        zslc = pl.ds(s * ACC_PER_S, ACC_PER_S)
        pltpu.sync_copy(zeros_hbm.at[zslc], acc_sh.at[zslc])
        pltpu.sync_copy(zeros_hbm.at[zslc], cnt_sh.at[zslc])
        pltpu.sync_copy(ones_hbm, ones_v)
        plsc.subcore_barrier()

        def chunk(t, _):
            e0 = base + t * CHE
            pltpu.sync_copy(dst_hbm.at[pl.ds(e0, CHE)], idx_v)
            pltpu.sync_copy(tp_hbm.at[pl.ds(e0, CHE)], vals_v)
            pltpu.sync_copy(vals_v, acc_sh.at[idx_v], add=True)
            pltpu.sync_copy(ones_v, cnt_sh.at[idx_v], add=True)
            return ()

        lax.fori_loop(0, N_LOOP, chunk, ())
        plsc.subcore_barrier()
        pltpu.sync_copy(acc_sh.at[zslc], psum_hbm.at[c, zslc])
        pltpu.sync_copy(cnt_sh.at[zslc], pcnt_hbm.at[c, zslc])

    return scatter_sum


def _edge_block(ea_ref, xs_ref, sh_ref, w1_ref, b1_ref, w2_ref, b2_ref,
                r_ref, s_ref, out_ref):
    ea = ea_ref[...]
    xs = xs_ref[...]
    h = jnp.maximum(
        jnp.dot(ea, w1_ref[...], preferred_element_type=jnp.float32)
        + b1_ref[...], 0.0).astype(jnp.bfloat16)
    y = jnp.dot(h, w2_ref[...], preferred_element_type=jnp.float32) \
        + b2_ref[...]
    xr = jnp.dot(xs, r_ref[...], preferred_element_type=jnp.float32)
    tp = jnp.dot((xr * y).astype(jnp.bfloat16), s_ref[...],
                 preferred_element_type=jnp.float32)
    out_ref[...] = ((ALPHA * sh_ref[...]) * tp).astype(jnp.bfloat16)


def _edge_stage(ci, ea, xs, sh, W1, b1, W2, b2, R, S):
    full = lambda shape: pl.BlockSpec(shape, lambda i: (0,) * len(shape))
    return pl.pallas_call(
        _edge_block,
        grid=(NBC,),
        in_specs=[
            pl.BlockSpec((BE, F), lambda i: (ci * NBC + i, 0)),
            pl.BlockSpec((BE, F), lambda i: (i, 0)),
            pl.BlockSpec((BE, 1), lambda i: (ci * NBC + i, 0)),
            full((F, F)), full((1, F)), full((F, 16 * F)), full((1, 16 * F)),
            full((F, 16 * F)), full((16 * F, F)),
        ],
        out_specs=pl.BlockSpec((BE, F), lambda i: (i, 0)),
        out_shape=jax.ShapeDtypeStruct((E_CH_PAD, F), jnp.bfloat16),
    )(ea, xs, sh, W1, b1, W2, b2, R, S)


def _finalize_block(p_ref, c_ref, x_ref, out_ref):
    mean = p_ref[:N_NODES] / jnp.maximum(c_ref[:N_NODES], 1.0)
    out_ref[...] = mean + x_ref[...]


def _finalize(p, c, x):
    return pl.pallas_call(
        _finalize_block,
        out_shape=jax.ShapeDtypeStruct((N_NODES, F), jnp.float32),
    )(p, c, x)


def kernel(x, edge_index, edge_attr, edge_sh, W1, b1, W2, b2):
    src = edge_index[0].astype(jnp.int32)
    dst = edge_index[1].astype(jnp.int32)
    cpad = E_CH_PAD - E_CH
    src_ch = jnp.pad(src.reshape(KC, E_CH), ((0, 0), (0, cpad)))
    dst_ch = jnp.pad(dst.reshape(KC, E_CH), ((0, 0), (0, cpad)),
                     constant_values=DUMP)

    R = jnp.asarray(np.kron(np.eye(F, dtype=np.float32),
                            np.ones((1, F), np.float32)))
    S = jnp.asarray(np.kron(np.ones((F, 1), np.float32),
                            np.eye(F, dtype=np.float32)))
    b1r = b1.reshape(1, F)
    b2r = b2.reshape(1, 16 * F)
    zeros_init = jnp.zeros((N_ACC, F), jnp.float32)
    ones_init = jnp.ones((CHE, F), jnp.float32)

    def _copy_block(a_ref, o_ref):
        o_ref[...] = a_ref[...]

    gather = _build_gather()
    scatter = _build_scatter()
    ea_bf = edge_attr.astype(jnp.bfloat16)
    W1b, W2b = W1.astype(jnp.bfloat16), W2.astype(jnp.bfloat16)
    Rb, Sb = R.astype(jnp.bfloat16), S.astype(jnp.bfloat16)
    ps, cs = [], []
    for ci in range(KC):
        x_src = gather(x, src_ch[ci])
        tp_bf = _edge_stage(ci, ea_bf, x_src.astype(jnp.bfloat16), edge_sh,
                            W1b, b1r, W2b, b2r, Rb, Sb)
        psum, pcnt = scatter(tp_bf.astype(jnp.float32), dst_ch[ci],
                             zeros_init, ones_init)
        ps.append(psum)
        cs.append(pcnt)

    p_tot = functools.reduce(jnp.add, [p[0] + p[1] for p in ps])
    c_tot = functools.reduce(jnp.add, [c[0] + c[1] for c in cs])
    return _finalize(p_tot, c_tot, x)

# --- scband reference (transcript-rebuilt; emitter-appended) ---
"""Pipeline reference for scband-tensor-product-conv-layer-23287312679457 (READ-ONLY COPY).

The authoritative reference and input builder live on the scoring server;
editing this copy changes nothing except your own understanding.
"""

import jax, jax.numpy as jnp
import numpy as np

N_NODES = 10000
N_EDGES = 640000
IN_MUL = 16      # in_irreps = 16x0e
SH_MUL = 1       # sh_irreps = 1x0e
OUT_MUL = 16     # out_irreps = 16x0e
EDGE_FDIM = 16
H_DIM = 16       # h_dim defaults to edge_fdim
WEIGHT_NUMEL = IN_MUL * SH_MUL * OUT_MUL  # 256


def setup_inputs(seed: int = 0) -> dict:
    key = jax.random.key(seed)
    ks = jax.random.split(key, 10)
    x = jax.random.normal(ks[0], (N_NODES, IN_MUL), dtype=jnp.float32)
    edge_index = jax.random.randint(ks[1], (2, N_EDGES), 0, N_NODES, dtype=jnp.int64)
    edge_attr = jax.random.normal(ks[2], (N_EDGES, EDGE_FDIM), dtype=jnp.float32)
    edge_sh = jax.random.normal(ks[3], (N_EDGES, SH_MUL), dtype=jnp.float32)
    # fc_net parameters: Linear(edge_fdim, h_dim) -> ReLU -> Dropout(0) -> Linear(h_dim, weight_numel)
    lim1 = 1.0 / np.sqrt(EDGE_FDIM)
    W1 = jax.random.uniform(ks[4], (EDGE_FDIM, H_DIM), minval=-lim1, maxval=lim1, dtype=jnp.float32)
    b1 = jax.random.uniform(ks[5], (H_DIM,), minval=-lim1, maxval=lim1, dtype=jnp.float32)
    lim2 = 1.0 / np.sqrt(H_DIM)
    W2 = jax.random.uniform(ks[6], (H_DIM, WEIGHT_NUMEL), minval=-lim2, maxval=lim2, dtype=jnp.float32)
    b2 = jax.random.uniform(ks[7], (WEIGHT_NUMEL,), minval=-lim2, maxval=lim2, dtype=jnp.float32)
    return {"x": x, "edge_index": edge_index, "edge_attr": edge_attr, "edge_sh": edge_sh,
            "W1": W1, "b1": b1, "W2": W2, "b2": b2}


def reference(x, edge_index, edge_attr, edge_sh, W1, b1, W2, b2):
    edge_src = edge_index[0]
    edge_dst = edge_index[1]
    # fc_net(edge_attr) -> per-edge tensor-product weights
    h = jax.nn.relu(edge_attr @ W1 + b1)
    tp_w = (h @ W2 + b2).reshape(-1, IN_MUL, OUT_MUL)  # [E, 16, 16]
    # FullyConnectedTensorProduct(16x0e, 1x0e -> 16x0e), shared_weights=False.
    # For pure scalar irreps this is out[e,w] = alpha * sum_u x[src,u] * sh[e,0] * W[e,u,w]
    # with e3nn path normalization alpha = 1/sqrt(mul_in1 * mul_in2) = 1/sqrt(16).
    alpha = 1.0 / jnp.sqrt(jnp.asarray(IN_MUL * SH_MUL, dtype=jnp.float32))
    x_src = x[edge_src]                                 # gather [E, 16]
    tp_out = alpha * jnp.einsum('eu,e,euw->ew', x_src, edge_sh[:, 0], tp_w)  # [E, 16]
    # scatter mean over destination nodes (out_nodes = x.shape[0], aggr='mean')
    out_nodes = x.shape[0]
    summed = jax.ops.segment_sum(tp_out, edge_dst, num_segments=out_nodes)
    counts = jax.ops.segment_sum(jnp.ones((edge_dst.shape[0],), dtype=x.dtype), edge_dst,
                                 num_segments=out_nodes)
    out = summed / jnp.clip(counts, 1.0, None)[:, None]
    # residual with zero-padding to out width (same width here -> pad of 0)
    pad = out.shape[-1] - x.shape[-1]
    padded = jnp.pad(x, ((0, 0), (0, pad)))
    return out + padded

if __name__ == "__main__":
    import jax
    _d = setup_inputs()
    print(jax.jit(kernel)(*tuple(_d.values())))

</pallas_src>

<mosaic_0001>
#map = affine_map<(d0, d1) -> (0, 0)>
#map1 = affine_map<(d0, d1) -> (0)>
#map2 = affine_map<(d0, d1) -> (0, 0, 0)>
module attributes {stable_mosaic.version = 14 : i64} {
  func.func @scatter_sum(%arg0: i32, %arg1: i32, %arg2: memref<655360x16xf32, #tpu.memory_space<hbm>>, %arg3: memref<655360xi32, #tpu.memory_space<hbm>>, %arg4: memref<10016x16xf32, #tpu.memory_space<hbm>>, %arg5: memref<2048x16xf32, #tpu.memory_space<hbm>>, %arg6: memref<2x10016x16xf32, #tpu.memory_space<hbm>>, %arg7: memref<2x10016x16xf32, #tpu.memory_space<hbm>>, %arg8: memref<2048xi32, #tpu.memory_space<vmem>>, %arg9: memref<2048x16xf32, #tpu.memory_space<vmem>>, %arg10: memref<2048x16xf32, #tpu.memory_space<vmem>>, %arg11: memref<10016x16xf32, #tpu.memory_space<vmem_shared>>, %arg12: memref<10016x16xf32, #tpu.memory_space<vmem_shared>>) attributes {dimension_semantics = [#tpu.dimension_semantics<core_parallel>, #tpu.dimension_semantics<subcore_parallel>], iteration_bounds = array<i64: 2, 16>, scalar_prefetch = 0 : i64, scratch_operands = 5 : i64, tpu.core_type = #tpu.core_type<sc_vector_subcore>, window_params = [{transform_indices = #map}, {transform_indices = #map1}, {transform_indices = #map}, {transform_indices = #map}, {transform_indices = #map2}, {transform_indices = #map2}]} {
    %mul3A = arith.constant 2 : i32
    %mul3A_0 = arith.muli %arg1, %mul3A : i32
    %add3A = arith.addi %mul3A_0, %arg0 : i32
    %mul3A_1 = arith.constant 20480 : i32
    %mul3A_2 = arith.muli %add3A, %mul3A_1 : i32
    %mul3A_3 = arith.constant 626 : i32
    %mul3A_4 = arith.muli %arg1, %mul3A_3 : i32
    "tpu.region"() ({
      %run_scoped3A = tpu.sem_alloc : memref<!tpu.dma_semaphore, #tpu.memory_space<semaphore_mem>>
      %dma_start3A = arith.constant 0 : i32
      %dma_start3A_10 = tpu.memref_slice %arg11[%mul3A_4, %dma_start3A] : memref<10016x16xf32, #tpu.memory_space<vmem_shared>> -> memref<626x16xf32, #tpu.memory_space<vmem_shared>>
      %dma_start3A_11 = arith.constant 0 : i32
      %dma_start3A_12 = tpu.memref_slice %arg4[%mul3A_4, %dma_start3A_11] : memref<10016x16xf32, #tpu.memory_space<hbm>> -> memref<626x16xf32, #tpu.memory_space<hbm>>
      tpu.enqueue_dma source(%dma_start3A_12 : memref<626x16xf32, #tpu.memory_space<hbm>>) target(%dma_start3A_10 : memref<626x16xf32, #tpu.memory_space<vmem_shared>>) target_semaphore(%run_scoped3A : memref<!tpu.dma_semaphore, #tpu.memory_space<semaphore_mem>>)
      %dma_wait3A = arith.constant 0 : i32
      %dma_wait3A_13 = tpu.memref_slice %arg11[%mul3A_4, %dma_wait3A] : memref<10016x16xf32, #tpu.memory_space<vmem_shared>> -> memref<626x16xf32, #tpu.memory_space<vmem_shared>>
      %dma_wait3A_14 = arith.constant 0 : i32
      %dma_wait3A_15 = tpu.memref_slice %arg4[%mul3A_4, %dma_wait3A_14] : memref<10016x16xf32, #tpu.memory_space<hbm>> -> memref<626x16xf32, #tpu.memory_space<hbm>>
      tpu.wait_dma2 semaphore(%run_scoped3A : memref<!tpu.dma_semaphore, #tpu.memory_space<semaphore_mem>>) src(%dma_wait3A_15 : memref<626x16xf32, #tpu.memory_space<hbm>>) dst(%dma_wait3A_13 : memref<626x16xf32, #tpu.memory_space<vmem_shared>>)
      tpu.yield
    }) : () -> ()
    "tpu.region"() ({
      %run_scoped3A = tpu.sem_alloc : memref<!tpu.dma_semaphore, #tpu.memory_space<semaphore_mem>>
      %dma_start3A = arith.constant 0 : i32
      %dma_start3A_10 = tpu.memref_slice %arg12[%mul3A_4, %dma_start3A] : memref<10016x16xf32, #tpu.memory_space<vmem_shared>> -> memref<626x16xf32, #tpu.memory_space<vmem_shared>>
      %dma_start3A_11 = arith.constant 0 : i32
      %dma_start3A_12 = tpu.memref_slice %arg4[%mul3A_4, %dma_start3A_11] : memref<10016x16xf32, #tpu.memory_space<hbm>> -> memref<626x16xf32, #tpu.memory_space<hbm>>
      tpu.enqueue_dma source(%dma_start3A_12 : memref<626x16xf32, #tpu.memory_space<hbm>>) target(%dma_start3A_10 : memref<626x16xf32, #tpu.memory_space<vmem_shared>>) target_semaphore(%run_scoped3A : memref<!tpu.dma_semaphore, #tpu.memory_space<semaphore_mem>>)
      %dma_wait3A = arith.constant 0 : i32
      %dma_wait3A_13 = tpu.memref_slice %arg12[%mul3A_4, %dma_wait3A] : memref<10016x16xf32, #tpu.memory_space<vmem_shared>> -> memref<626x16xf32, #tpu.memory_space<vmem_shared>>
      %dma_wait3A_14 = arith.constant 0 : i32
      %dma_wait3A_15 = tpu.memref_slice %arg4[%mul3A_4, %dma_wait3A_14] : memref<10016x16xf32, #tpu.memory_space<hbm>> -> memref<626x16xf32, #tpu.memory_space<hbm>>
      tpu.wait_dma2 semaphore(%run_scoped3A : memref<!tpu.dma_semaphore, #tpu.memory_space<semaphore_mem>>) src(%dma_wait3A_15 : memref<626x16xf32, #tpu.memory_space<hbm>>) dst(%dma_wait3A_13 : memref<626x16xf32, #tpu.memory_space<vmem_shared>>)
      tpu.yield
    }) : () -> ()
    "tpu.region"() ({
      %run_scoped3A = tpu.sem_alloc : memref<!tpu.dma_semaphore, #tpu.memory_space<semaphore_mem>>
      tpu.enqueue_dma source(%arg5 : memref<2048x16xf32, #tpu.memory_space<hbm>>) target(%arg10 : memref<2048x16xf32, #tpu.memory_space<vmem>>) target_semaphore(%run_scoped3A : memref<!tpu.dma_semaphore, #tpu.memory_space<semaphore_mem>>)
      tpu.wait_dma2 semaphore(%run_scoped3A : memref<!tpu.dma_semaphore, #tpu.memory_space<semaphore_mem>>) src(%arg5 : memref<2048x16xf32, #tpu.memory_space<hbm>>) dst(%arg10 : memref<2048x16xf32, #tpu.memory_space<vmem>>)
      tpu.yield
    }) : () -> ()
    %barrier3A = arith.constant 0 : index
    tpu.barrier barrier_id(%barrier3A)
    %scan3A = arith.constant 0 : i32
    %scan3A_5 = arith.constant 10 : i32
    %scan3A_6 = arith.addi %scan3A, %scan3A_5 : i32
    %scan3A_7 = arith.constant 1 : i32
    scf.for %scan3A_10 = %scan3A to %scan3A_6 step %scan3A_7  : i32 {
      %mul3A_11 = arith.constant 2048 : i32
      %mul3A_12 = arith.muli %scan3A_10, %mul3A_11 : i32
      %add3A_13 = arith.addi %mul3A_2, %mul3A_12 : i32
      "tpu.region"() ({
        %run_scoped3A = tpu.sem_alloc : memref<!tpu.dma_semaphore, #tpu.memory_space<semaphore_mem>>
        %dma_start3A = tpu.memref_slice %arg3[%add3A_13] : memref<655360xi32, #tpu.memory_space<hbm>> -> memref<2048xi32, #tpu.memory_space<hbm>>
        %dma_start3A_14 = tpu.memref_slice %arg3[%add3A_13] : memref<655360xi32, #tpu.memory_space<hbm>> -> memref<2048xi32, #tpu.memory_space<hbm>>
        tpu.enqueue_dma source(%dma_start3A_14 : memref<2048xi32, #tpu.memory_space<hbm>>) target(%arg8 : memref<2048xi32, #tpu.memory_space<vmem>>) target_semaphore(%run_scoped3A : memref<!tpu.dma_semaphore, #tpu.memory_space<semaphore_mem>>)
        %dma_wait3A = tpu.memref_slice %arg3[%add3A_13] : memref<655360xi32, #tpu.memory_space<hbm>> -> memref<2048xi32, #tpu.memory_space<hbm>>
        %dma_wait3A_15 = tpu.memref_slice %arg3[%add3A_13] : memref<655360xi32, #tpu.memory_space<hbm>> -> memref<2048xi32, #tpu.memory_space<hbm>>
        tpu.wait_dma2 semaphore(%run_scoped3A : memref<!tpu.dma_semaphore, #tpu.memory_space<semaphore_mem>>) src(%dma_wait3A_15 : memref<2048xi32, #tpu.memory_space<hbm>>) dst(%arg8 : memref<2048xi32, #tpu.memory_space<vmem>>)
        tpu.yield
      }) : () -> ()
      "tpu.region"() ({
        %run_scoped3A = tpu.sem_alloc : memref<!tpu.dma_semaphore, #tpu.memory_space<semaphore_mem>>
        %dma_start3A = arith.constant 0 : i32
        %dma_start3A_14 = tpu.memref_slice %arg2[%add3A_13, %dma_start3A] : memref<655360x16xf32, #tpu.memory_space<hbm>> -> memref<2048x16xf32, #tpu.memory_space<hbm>>
        %dma_start3A_15 = arith.constant 0 : i32
        %dma_start3A_16 = tpu.memref_slice %arg2[%add3A_13, %dma_start3A_15] : memref<655360x16xf32, #tpu.memory_space<hbm>> -> memref<2048x16xf32, #tpu.memory_space<hbm>>
        tpu.enqueue_dma source(%dma_start3A_16 : memref<2048x16xf32, #tpu.memory_space<hbm>>) target(%arg9 : memref<2048x16xf32, #tpu.memory_space<vmem>>) target_semaphore(%run_scoped3A : memref<!tpu.dma_semaphore, #tpu.memory_space<semaphore_mem>>)
        %dma_wait3A = arith.constant 0 : i32
        %dma_wait3A_17 = tpu.memref_slice %arg2[%add3A_13, %dma_wait3A] : memref<655360x16xf32, #tpu.memory_space<hbm>> -> memref<2048x16xf32, #tpu.memory_space<hbm>>
        %dma_wait3A_18 = arith.constant 0 : i32
        %dma_wait3A_19 = tpu.memref_slice %arg2[%add3A_13, %dma_wait3A_18] : memref<655360x16xf32, #tpu.memory_space<hbm>> -> memref<2048x16xf32, #tpu.memory_space<hbm>>
        tpu.wait_dma2 semaphore(%run_scoped3A : memref<!tpu.dma_semaphore, #tpu.memory_space<semaphore_mem>>) src(%dma_wait3A_19 : memref<2048x16xf32, #tpu.memory_space<hbm>>) dst(%arg9 : memref<2048x16xf32, #tpu.memory_space<vmem>>)
        tpu.yield
      }) : () -> ()
      "tpu.region"() ({
        %run_scoped3A = tpu.sem_alloc : memref<!tpu.dma_semaphore, #tpu.memory_space<semaphore_mem>>
        %dma_start3A = arith.constant 0 : i32
        %dma_start3A_14 = arith.constant 0 : i32
        %dma_start3A_15 = tpu.memref_slice %arg11[%dma_start3A, %dma_start3A_14] : memref<10016x16xf32, #tpu.memory_space<vmem_shared>> -> memref<10016x16xf32, #tpu.memory_space<vmem_shared>>
        tpu.enqueue_indirect_dma source(%arg9 : memref<2048x16xf32, #tpu.memory_space<vmem>>) target(%dma_start3A_15 : memref<10016x16xf32, #tpu.memory_space<vmem_shared>>) offsets(%arg8 : memref<2048xi32, #tpu.memory_space<vmem>>) semaphore(%run_scoped3A : memref<!tpu.dma_semaphore, #tpu.memory_space<semaphore_mem>>) {add = true}
        %dma_wait3A = arith.constant 0 : i32
        %dma_wait3A_16 = arith.constant 0 : i32
        %dma_wait3A_17 = tpu.memref_slice %arg11[%dma_wait3A, %dma_wait3A_16] : memref<10016x16xf32, #tpu.memory_space<vmem_shared>> -> memref<10016x16xf32, #tpu.memory_space<vmem_shared>>
        tpu.wait_indirect_dma semaphore(%run_scoped3A : memref<!tpu.dma_semaphore, #tpu.memory_space<semaphore_mem>>) src(%arg9 : memref<2048x16xf32, #tpu.memory_space<vmem>>) dst(%dma_wait3A_17 : memref<10016x16xf32, #tpu.memory_space<vmem_shared>>)
        tpu.yield
      }) : () -> ()
      "tpu.region"() ({
        %run_scoped3A = tpu.sem_alloc : memref<!tpu.dma_semaphore, #tpu.memory_space<semaphore_mem>>
        %dma_start3A = arith.constant 0 : i32
        %dma_start3A_14 = arith.constant 0 : i32
        %dma_start3A_15 = tpu.memref_slice %arg12[%dma_start3A, %dma_start3A_14] : memref<10016x16xf32, #tpu.memory_space<vmem_shared>> -> memref<10016x16xf32, #tpu.memory_space<vmem_shared>>
        tpu.enqueue_indirect_dma source(%arg10 : memref<2048x16xf32, #tpu.memory_space<vmem>>) target(%dma_start3A_15 : memref<10016x16xf32, #tpu.memory_space<vmem_shared>>) offsets(%arg8 : memref<2048xi32, #tpu.memory_space<vmem>>) semaphore(%run_scoped3A : memref<!tpu.dma_semaphore, #tpu.memory_space<semaphore_mem>>) {add = true}
        %dma_wait3A = arith.constant 0 : i32
        %dma_wait3A_16 = arith.constant 0 : i32
        %dma_wait3A_17 = tpu.memref_slice %arg12[%dma_wait3A, %dma_wait3A_16] : memref<10016x16xf32, #tpu.memory_space<vmem_shared>> -> memref<10016x16xf32, #tpu.memory_space<vmem_shared>>
        tpu.wait_indirect_dma semaphore(%run_scoped3A : memref<!tpu.dma_semaphore, #tpu.memory_space<semaphore_mem>>) src(%arg10 : memref<2048x16xf32, #tpu.memory_space<vmem>>) dst(%dma_wait3A_17 : memref<10016x16xf32, #tpu.memory_space<vmem_shared>>)
        tpu.yield
      }) : () -> ()
    }
    %scan3A_8 = arith.constant 10 : i32
    %barrier3A_9 = arith.constant 0 : index
    tpu.barrier barrier_id(%barrier3A_9)
    "tpu.region"() ({
      %run_scoped3A = tpu.sem_alloc : memref<!tpu.dma_semaphore, #tpu.memory_space<semaphore_mem>>
      %dma_start3A = arith.constant 0 : i32
      %dma_start3A_10 = tpu.memref_slice %arg6[%arg0, %mul3A_4, %dma_start3A] : memref<2x10016x16xf32, #tpu.memory_space<hbm>> -> memref<1x626x16xf32, #tpu.memory_space<hbm>>
      %dma_start3A_11 = tpu.memref_squeeze %dma_start3A_10 : memref<1x626x16xf32, #tpu.memory_space<hbm>> -> memref<626x16xf32, #tpu.memory_space<hbm>>
      %dma_start3A_12 = arith.constant 0 : i32
      %dma_start3A_13 = tpu.memref_slice %arg11[%mul3A_4, %dma_start3A_12] : memref<10016x16xf32, #tpu.memory_space<vmem_shared>> -> memref<626x16xf32, #tpu.memory_space<vmem_shared>>
      tpu.enqueue_dma source(%dma_start3A_13 : memref<626x16xf32, #tpu.memory_space<vmem_shared>>) target(%dma_start3A_11 : memref<626x16xf32, #tpu.memory_space<hbm>>) target_semaphore(%run_scoped3A : memref<!tpu.dma_semaphore, #tpu.memory_space<semaphore_mem>>)
      %dma_wait3A = arith.constant 0 : i32
      %dma_wait3A_14 = tpu.memref_slice %arg6[%arg0, %mul3A_4, %dma_wait3A] : memref<2x10016x16xf32, #tpu.memory_space<hbm>> -> memref<1x626x16xf32, #tpu.memory_space<hbm>>
      %dma_wait3A_15 = tpu.memref_squeeze %dma_wait3A_14 : memref<1x626x16xf32, #tpu.memory_space<hbm>> -> memref<626x16xf32, #tpu.memory_space<hbm>>
      %dma_wait3A_16 = arith.constant 0 : i32
      %dma_wait3A_17 = tpu.memref_slice %arg11[%mul3A_4, %dma_wait3A_16] : memref<10016x16xf32, #tpu.memory_space<vmem_shared>> -> memref<626x16xf32, #tpu.memory_space<vmem_shared>>
      tpu.wait_dma2 semaphore(%run_scoped3A : memref<!tpu.dma_semaphore, #tpu.memory_space<semaphore_mem>>) src(%dma_wait3A_17 : memref<626x16xf32, #tpu.memory_space<vmem_shared>>) dst(%dma_wait3A_15 : memref<626x16xf32, #tpu.memory_space<hbm>>)
      tpu.yield
    }) : () -> ()
    "tpu.region"() ({
      %run_scoped3A = tpu.sem_alloc : memref<!tpu.dma_semaphore, #tpu.memory_space<semaphore_mem>>
      %dma_start3A = arith.constant 0 : i32
      %dma_start3A_10 = tpu.memref_slice %arg7[%arg0, %mul3A_4, %dma_start3A] : memref<2x10016x16xf32, #tpu.memory_space<hbm>> -> memref<1x626x16xf32, #tpu.memory_space<hbm>>
      %dma_start3A_11 = tpu.memref_squeeze %dma_start3A_10 : memref<1x626x16xf32, #tpu.memory_space<hbm>> -> memref<626x16xf32, #tpu.memory_space<hbm>>
      %dma_start3A_12 = arith.constant 0 : i32
      %dma_start3A_13 = tpu.memref_slice %arg12[%mul3A_4, %dma_start3A_12] : memref<10016x16xf32, #tpu.memory_space<vmem_shared>> -> memref<626x16xf32, #tpu.memory_space<vmem_shared>>
      tpu.enqueue_dma source(%dma_start3A_13 : memref<626x16xf32, #tpu.memory_space<vmem_shared>>) target(%dma_start3A_11 : memref<626x16xf32, #tpu.memory_space<hbm>>) target_semaphore(%run_scoped3A : memref<!tpu.dma_semaphore, #tpu.memory_space<semaphore_mem>>)
      %dma_wait3A = arith.constant 0 : i32
      %dma_wait3A_14 = tpu.memref_slice %arg7[%arg0, %mul3A_4, %dma_wait3A] : memref<2x10016x16xf32, #tpu.memory_space<hbm>> -> memref<1x626x16xf32, #tpu.memory_space<hbm>>
      %dma_wait3A_15 = tpu.memref_squeeze %dma_wait3A_14 : memref<1x626x16xf32, #tpu.memory_space<hbm>> -> memref<626x16xf32, #tpu.memory_space<hbm>>
      %dma_wait3A_16 = arith.constant 0 : i32
      %dma_wait3A_17 = tpu.memref_slice %arg12[%mul3A_4, %dma_wait3A_16] : memref<10016x16xf32, #tpu.memory_space<vmem_shared>> -> memref<626x16xf32, #tpu.memory_space<vmem_shared>>
      tpu.wait_dma2 semaphore(%run_scoped3A : memref<!tpu.dma_semaphore, #tpu.memory_space<semaphore_mem>>) src(%dma_wait3A_17 : memref<626x16xf32, #tpu.memory_space<vmem_shared>>) dst(%dma_wait3A_15 : memref<626x16xf32, #tpu.memory_space<hbm>>)
      tpu.yield
    }) : () -> ()
    return
  }
}

#map = affine_map<(d0, d1) -> (0, 0)>
#map1 = affine_map<(d0, d1) -> (0)>
module attributes {stable_mosaic.version = 14 : i64} {
  func.func @gather_rows(%arg0: i32, %arg1: i32, %arg2: memref<10000x16xf32, #tpu.memory_space<hbm>>, %arg3: memref<655360xi32, #tpu.memory_space<hbm>>, %arg4: memref<655360x16xf32, #tpu.memory_space<hbm>>, %arg5: memref<2048xi32, #tpu.memory_space<vmem>>, %arg6: memref<2048x16xf32, #tpu.memory_space<vmem>>, %arg7: memref<!tpu.dma_semaphore, #tpu.memory_space<semaphore_mem>>) attributes {dimension_semantics = [#tpu.dimension_semantics<core_parallel>, #tpu.dimension_semantics<subcore_parallel>], iteration_bounds = array<i64: 2, 16>, scalar_prefetch = 0 : i64, scratch_operands = 3 : i64, tpu.core_type = #tpu.core_type<sc_vector_subcore>, window_params = [{transform_indices = #map}, {transform_indices = #map1}, {transform_indices = #map}]} {
    %mul3A = arith.constant 2 : i32
    %mul3A_0 = arith.muli %arg1, %mul3A : i32
    %add3A = arith.addi %mul3A_0, %arg0 : i32
    %mul3A_1 = arith.constant 20480 : i32
    %mul3A_2 = arith.muli %add3A, %mul3A_1 : i32
    %scan3A = arith.constant 0 : i32
    %scan3A_3 = arith.constant 10 : i32
    %scan3A_4 = arith.addi %scan3A, %scan3A_3 : i32
    %scan3A_5 = arith.constant 1 : i32
    scf.for %scan3A_7 = %scan3A to %scan3A_4 step %scan3A_5  : i32 {
      %mul3A_8 = arith.constant 2048 : i32
      %mul3A_9 = arith.muli %scan3A_7, %mul3A_8 : i32
      %add3A_10 = arith.addi %mul3A_2, %mul3A_9 : i32
      "tpu.region"() ({
        %run_scoped3A = tpu.sem_alloc : memref<!tpu.dma_semaphore, #tpu.memory_space<semaphore_mem>>
        %dma_start3A_15 = tpu.memref_slice %arg3[%add3A_10] : memref<655360xi32, #tpu.memory_space<hbm>> -> memref<2048xi32, #tpu.memory_space<hbm>>
        %dma_start3A_16 = tpu.memref_slice %arg3[%add3A_10] : memref<655360xi32, #tpu.memory_space<hbm>> -> memref<2048xi32, #tpu.memory_space<hbm>>
        tpu.enqueue_dma source(%dma_start3A_16 : memref<2048xi32, #tpu.memory_space<hbm>>) target(%arg5 : memref<2048xi32, #tpu.memory_space<vmem>>) target_semaphore(%run_scoped3A : memref<!tpu.dma_semaphore, #tpu.memory_space<semaphore_mem>>)
        %dma_wait3A_17 = tpu.memref_slice %arg3[%add3A_10] : memref<655360xi32, #tpu.memory_space<hbm>> -> memref<2048xi32, #tpu.memory_space<hbm>>
        %dma_wait3A_18 = tpu.memref_slice %arg3[%add3A_10] : memref<655360xi32, #tpu.memory_space<hbm>> -> memref<2048xi32, #tpu.memory_space<hbm>>
        tpu.wait_dma2 semaphore(%run_scoped3A : memref<!tpu.dma_semaphore, #tpu.memory_space<semaphore_mem>>) src(%dma_wait3A_18 : memref<2048xi32, #tpu.memory_space<hbm>>) dst(%arg5 : memref<2048xi32, #tpu.memory_space<vmem>>)
        tpu.yield
      }) : () -> ()
      %dma_start3A = arith.constant 0 : i32
      %dma_start3A_11 = arith.constant 0 : i32
      %dma_start3A_12 = tpu.memref_slice %arg2[%dma_start3A, %dma_start3A_11] : memref<10000x16xf32, #tpu.memory_space<hbm>> -> memref<10000x16xf32, #tpu.memory_space<hbm>>
      tpu.enqueue_indirect_dma source(%dma_start3A_12 : memref<10000x16xf32, #tpu.memory_space<hbm>>) target(%arg6 : memref<2048x16xf32, #tpu.memory_space<vmem>>) offsets(%arg5 : memref<2048xi32, #tpu.memory_space<vmem>>) semaphore(%arg7 : memref<!tpu.dma_semaphore, #tpu.memory_space<semaphore_mem>>)
      %dma_wait3A = arith.constant 0 : i32
      %dma_wait3A_13 = arith.constant 0 : i32
      %dma_wait3A_14 = tpu.memref_slice %arg2[%dma_wait3A, %dma_wait3A_13] : memref<10000x16xf32, #tpu.memory_space<hbm>> -> memref<10000x16xf32, #tpu.memory_space<hbm>>
      tpu.wait_indirect_dma semaphore(%arg7 : memref<!tpu.dma_semaphore, #tpu.memory_space<semaphore_mem>>) src(%dma_wait3A_14 : memref<10000x16xf32, #tpu.memory_space<hbm>>) dst(%arg6 : memref<2048x16xf32, #tpu.memory_space<vmem>>)
      "tpu.region"() ({
        %run_scoped3A = tpu.sem_alloc : memref<!tpu.dma_semaphore, #tpu.memory_space<semaphore_mem>>
        %dma_start3A_15 = arith.constant 0 : i32
        %dma_start3A_16 = tpu.memref_slice %arg4[%add3A_10, %dma_start3A_15] : memref<655360x16xf32, #tpu.memory_space<hbm>> -> memref<2048x16xf32, #tpu.memory_space<hbm>>
        %dma_start3A_17 = arith.constant 0 : i32
        %dma_start3A_18 = tpu.memref_slice %arg4[%add3A_10, %dma_start3A_17] : memref<655360x16xf32, #tpu.memory_space<hbm>> -> memref<2048x16xf32, #tpu.memory_space<hbm>>
        tpu.enqueue_dma source(%arg6 : memref<2048x16xf32, #tpu.memory_space<vmem>>) target(%dma_start3A_18 : memref<2048x16xf32, #tpu.memory_space<hbm>>) target_semaphore(%run_scoped3A : memref<!tpu.dma_semaphore, #tpu.memory_space<semaphore_mem>>)
        %dma_wait3A_19 = arith.constant 0 : i32
        %dma_wait3A_20 = tpu.memref_slice %arg4[%add3A_10, %dma_wait3A_19] : memref<655360x16xf32, #tpu.memory_space<hbm>> -> memref<2048x16xf32, #tpu.memory_space<hbm>>
        %dma_wait3A_21 = arith.constant 0 : i32
        %dma_wait3A_22 = tpu.memref_slice %arg4[%add3A_10, %dma_wait3A_21] : memref<655360x16xf32, #tpu.memory_space<hbm>> -> memref<2048x16xf32, #tpu.memory_space<hbm>>
        tpu.wait_dma2 semaphore(%run_scoped3A : memref<!tpu.dma_semaphore, #tpu.memory_space<semaphore_mem>>) src(%arg6 : memref<2048x16xf32, #tpu.memory_space<vmem>>) dst(%dma_wait3A_22 : memref<2048x16xf32, #tpu.memory_space<hbm>>)
        tpu.yield
      }) : () -> ()
    }
    %scan3A_6 = arith.constant 10 : i32
    return
  }
}

module attributes {stable_mosaic.version = 14 : i64} {
  func.func @_edge_block(%arg0: i32, %arg1: memref<4000x16xbf16, #tpu.memory_space<vmem>>, %arg2: memref<4000x16xbf16, #tpu.memory_space<vmem>>, %arg3: memref<4000x1xf32, #tpu.memory_space<vmem>>, %arg4: memref<16x16xbf16, #tpu.memory_space<vmem>>, %arg5: memref<1x16xf32, #tpu.memory_space<vmem>>, %arg6: memref<16x256xbf16, #tpu.memory_space<vmem>>, %arg7: memref<1x256xf32, #tpu.memory_space<vmem>>, %arg8: memref<16x256xbf16, #tpu.memory_space<vmem>>, %arg9: memref<256x16xbf16, #tpu.memory_space<vmem>>, %arg10: memref<4000x16xbf16, #tpu.memory_space<vmem>>) attributes {dimension_semantics = [#tpu.dimension_semantics<arbitrary>], iteration_bounds = array<i64: 160>, scalar_prefetch = 0 : i64, scratch_operands = 0 : i64, tpu.core_type = #tpu.core_type<tc>, window_params = [{transform_indices = @transform_0, window_bounds = array<i64: 4000, 16>}, {transform_indices = @transform_1, window_bounds = array<i64: 4000, 16>}, {transform_indices = @transform_2, window_bounds = array<i64: 4000, 1>}, {pipeline_mode = #tpu.pipeline_mode<synchronous>, transform_indices = @transform_3, window_bounds = array<i64: 16, 16>}, {pipeline_mode = #tpu.pipeline_mode<synchronous>, transform_indices = @transform_4, window_bounds = array<i64: 1, 16>}, {pipeline_mode = #tpu.pipeline_mode<synchronous>, transform_indices = @transform_5, window_bounds = array<i64: 16, 256>}, {pipeline_mode = #tpu.pipeline_mode<synchronous>, transform_indices = @transform_6, window_bounds = array<i64: 1, 256>}, {pipeline_mode = #tpu.pipeline_mode<synchronous>, transform_indices = @transform_7, window_bounds = array<i64: 16, 256>}, {pipeline_mode = #tpu.pipeline_mode<synchronous>, transform_indices = @transform_8, window_bounds = array<i64: 256, 16>}, {transform_indices = @transform_9, window_bounds = array<i64: 4000, 16>}]} {
    %get3A = arith.constant 0 : index
    %get3A_0 = arith.constant 0 : index
    %get3A_1 = vector.load %arg1[%get3A, %get3A_0] : memref<4000x16xbf16, #tpu.memory_space<vmem>>, vector<4000x16xbf16>
    %get3A_2 = arith.constant 0 : index
    %get3A_3 = arith.constant 0 : index
    %get3A_4 = vector.load %arg2[%get3A_2, %get3A_3] : memref<4000x16xbf16, #tpu.memory_space<vmem>>, vector<4000x16xbf16>
    %get3A_5 = arith.constant 0 : index
    %get3A_6 = arith.constant 0 : index
    %get3A_7 = vector.load %arg4[%get3A_5, %get3A_6] : memref<16x16xbf16, #tpu.memory_space<vmem>>, vector<16x16xbf16>
    %dot_general3A = arith.constant dense<0.000000e+00> : vector<4000x16xf32>
    %dot_general3A_8 = tpu.matmul %get3A_1, %get3A_7, %dot_general3A {dimension_numbers = #tpu.dot_dimension_numbers<[1], [0], [0], [1], [0, 0, 1, 1], [], []>, transpose_lhs_hint = false} : vector<4000x16xbf16>, vector<16x16xbf16>, vector<4000x16xf32> -> vector<4000x16xf32>
    %get3A_9 = arith.constant 0 : index
    %get3A_10 = arith.constant 0 : index
    %get3A_11 = vector.load %arg5[%get3A_9, %get3A_10] : memref<1x16xf32, #tpu.memory_space<vmem>>, vector<1x16xf32>
    %add3A = vector.broadcast %get3A_11 : vector<1x16xf32> to vector<4000x16xf32>
    %add3A_12 = arith.addf %dot_general3A_8, %add3A : vector<4000x16xf32>
    %max3A = arith.constant 0.000000e+00 : f32
    %max3A_13 = vector.broadcast %max3A : f32 to vector<4000x16xf32>
    %max3A_14 = arith.maximumf %add3A_12, %max3A_13 : vector<4000x16xf32>
    %convert_element_type3A = arith.truncf %max3A_14 : vector<4000x16xf32> to vector<4000x16xbf16>
    %get3A_15 = arith.constant 0 : index
    %get3A_16 = arith.constant 0 : index
    %get3A_17 = vector.load %arg6[%get3A_15, %get3A_16] : memref<16x256xbf16, #tpu.memory_space<vmem>>, vector<16x256xbf16>
    %dot_general3A_18 = arith.constant dense<0.000000e+00> : vector<4000x256xf32>
    %dot_general3A_19 = tpu.matmul %convert_element_type3A, %get3A_17, %dot_general3A_18 {dimension_numbers = #tpu.dot_dimension_numbers<[1], [0], [0], [1], [0, 0, 1, 1], [], []>, transpose_lhs_hint = false} : vector<4000x16xbf16>, vector<16x256xbf16>, vector<4000x256xf32> -> vector<4000x256xf32>
    %get3A_20 = arith.constant 0 : index
    %get3A_21 = arith.constant 0 : index
    %get3A_22 = vector.load %arg7[%get3A_20, %get3A_21] : memref<1x256xf32, #tpu.memory_space<vmem>>, vector<1x256xf32>
    %add3A_23 = vector.broadcast %get3A_22 : vector<1x256xf32> to vector<4000x256xf32>
    %add3A_24 = arith.addf %dot_general3A_19, %add3A_23 : vector<4000x256xf32>
    %get3A_25 = arith.constant 0 : index
    %get3A_26 = arith.constant 0 : index
    %get3A_27 = vector.load %arg8[%get3A_25, %get3A_26] : memref<16x256xbf16, #tpu.memory_space<vmem>>, vector<16x256xbf16>
    %dot_general3A_28 = arith.constant dense<0.000000e+00> : vector<4000x256xf32>
    %dot_general3A_29 = tpu.matmul %get3A_4, %get3A_27, %dot_general3A_28 {dimension_numbers = #tpu.dot_dimension_numbers<[1], [0], [0], [1], [0, 0, 1, 1], [], []>, transpose_lhs_hint = false} : vector<4000x16xbf16>, vector<16x256xbf16>, vector<4000x256xf32> -> vector<4000x256xf32>
    %mul3A = arith.mulf %dot_general3A_29, %add3A_24 : vector<4000x256xf32>
    %convert_element_type3A_30 = arith.truncf %mul3A : vector<4000x256xf32> to vector<4000x256xbf16>
    %get3A_31 = arith.constant 0 : index
    %get3A_32 = arith.constant 0 : index
    %get3A_33 = vector.load %arg9[%get3A_31, %get3A_32] : memref<256x16xbf16, #tpu.memory_space<vmem>>, vector<256x16xbf16>
    %dot_general3A_34 = arith.constant dense<0.000000e+00> : vector<4000x16xf32>
    %dot_general3A_35 = tpu.matmul %convert_element_type3A_30, %get3A_33, %dot_general3A_34 {dimension_numbers = #tpu.dot_dimension_numbers<[1], [0], [0], [1], [0, 0, 1, 1], [], []>, transpose_lhs_hint = false} : vector<4000x256xbf16>, vector<256x16xbf16>, vector<4000x16xf32> -> vector<4000x16xf32>
    %get3A_36 = arith.constant 0 : index
    %get3A_37 = arith.constant 0 : index
    %get3A_38 = vector.load %arg3[%get3A_36, %get3A_37] : memref<4000x1xf32, #tpu.memory_space<vmem>>, vector<4000x1xf32>
    %mul3A_39 = arith.constant 2.500000e-01 : f32
    %mul3A_40 = vector.broadcast %mul3A_39 : f32 to vector<4000x1xf32>
    %mul3A_41 = arith.mulf %mul3A_40, %get3A_38 : vector<4000x1xf32>
    %mul3A_42 = vector.broadcast %mul3A_41 : vector<4000x1xf32> to vector<4000x16xf32>
    %mul3A_43 = arith.mulf %mul3A_42, %dot_general3A_35 : vector<4000x16xf32>
    %convert_element_type3A_44 = arith.truncf %mul3A_43 : vector<4000x16xf32> to vector<4000x16xbf16>
    %swap3A = arith.constant 0 : index
    %swap3A_45 = arith.constant 0 : index
    %swap3A_46 = vector.load %arg10[%swap3A, %swap3A_45] : memref<4000x16xbf16, #tpu.memory_space<vmem>>, vector<4000x16xbf16>
    tpu.vector_store %arg10[%swap3A, %swap3A_45], %convert_element_type3A_44 {strides = array<i32>} : memref<4000x16xbf16, #tpu.memory_space<vmem>>, vector<4000x16xbf16>,
    return
  }
  func.func @transform_0(%arg0: i32) -> (i32, i32) {
    %add3A = arith.constant 0 : i32
    %add3A_0 = arith.addi %add3A, %arg0 : i32
    %c0_i32 = arith.constant 0 : i32
    %c0_i32_1 = arith.constant 0 : i32
    return %add3A_0, %c0_i32 : i32, i32
  }
  func.func @transform_1(%arg0: i32) -> (i32, i32) {
    %c0_i32 = arith.constant 0 : i32
    %c0_i32_0 = arith.constant 0 : i32
    return %arg0, %c0_i32 : i32, i32
  }
  func.func @transform_2(%arg0: i32) -> (i32, i32) {
    %add3A = arith.constant 0 : i32
    %add3A_0 = arith.addi %add3A, %arg0 : i32
    %c0_i32 = arith.constant 0 : i32
    %c0_i32_1 = arith.constant 0 : i32
    return %add3A_0, %c0_i32 : i32, i32
  }
  func.func @transform_3(%arg0: i32) -> (i32, i32) {
    %c0_i32 = arith.constant 0 : i32
    %c0_i32_0 = arith.constant 0 : i32
    %c0_i32_1 = arith.constant 0 : i32
    return %c0_i32, %c0_i32_0 : i32, i32
  }
  func.func @transform_4(%arg0: i32) -> (i32, i32) {
    %c0_i32 = arith.constant 0 : i32
    %c0_i32_0 = arith.constant 0 : i32
    %c0_i32_1 = arith.constant 0 : i32
    return %c0_i32, %c0_i32_0 : i32, i32
  }
  func.func @transform_5(%arg0: i32) -> (i32, i32) {
    %c0_i32 = arith.constant 0 : i32
    %c0_i32_0 = arith.constant 0 : i32
    %c0_i32_1 = arith.constant 0 : i32
    return %c0_i32, %c0_i32_0 : i32, i32
  }
  func.func @transform_6(%arg0: i32) -> (i32, i32) {
    %c0_i32 = arith.constant 0 : i32
    %c0_i32_0 = arith.constant 0 : i32
    %c0_i32_1 = arith.constant 0 : i32
    return %c0_i32, %c0_i32_0 : i32, i32
  }
  func.func @transform_7(%arg0: i32) -> (i32, i32) {
    %c0_i32 = arith.constant 0 : i32
    %c0_i32_0 = arith.constant 0 : i32
    %c0_i32_1 = arith.constant 0 : i32
    return %c0_i32, %c0_i32_0 : i32, i32
  }
  func.func @transform_8(%arg0: i32) -> (i32, i32) {
    %c0_i32 = arith.constant 0 : i32
    %c0_i32_0 = arith.constant 0 : i32
    %c0_i32_1 = arith.constant 0 : i32
    return %c0_i32, %c0_i32_0 : i32, i32
  }
  func.func @transform_9(%arg0: i32) -> (i32, i32) {
    %c0_i32 = arith.constant 0 : i32
    %c0_i32_0 = arith.constant 0 : i32
    return %arg0, %c0_i32 : i32, i32
  }
}

module attributes {stable_mosaic.version = 14 : i64} {
  func.func @_finalize_block(%arg0: memref<10016x16xf32, #tpu.memory_space<vmem>>, %arg1: memref<10016x16xf32, #tpu.memory_space<vmem>>, %arg2: memref<10000x16xf32, #tpu.memory_space<vmem>>, %arg3: memref<10000x16xf32, #tpu.memory_space<vmem>>) attributes {dimension_semantics = [], scalar_prefetch = 0 : i64, scratch_operands = 0 : i64, tpu.core_type = #tpu.core_type<tc>} {
    %get3A = arith.constant 0 : index
    %get3A_0 = arith.constant 0 : index
    %get3A_1 = vector.load %arg0[%get3A, %get3A_0] : memref<10016x16xf32, #tpu.memory_space<vmem>>, vector<10000x16xf32>
    %get3A_2 = arith.constant 0 : index
    %get3A_3 = arith.constant 0 : index
    %get3A_4 = vector.load %arg1[%get3A_2, %get3A_3] : memref<10016x16xf32, #tpu.memory_space<vmem>>, vector<10000x16xf32>
    %max3A = arith.constant 1.000000e+00 : f32
    %max3A_5 = vector.broadcast %max3A : f32 to vector<10000x16xf32>
    %max3A_6 = arith.maximumf %get3A_4, %max3A_5 : vector<10000x16xf32>
    %div3A = arith.divf %get3A_1, %max3A_6 : vector<10000x16xf32>
    %get3A_7 = arith.constant 0 : index
    %get3A_8 = arith.constant 0 : index
    %get3A_9 = vector.load %arg2[%get3A_7, %get3A_8] : memref<10000x16xf32, #tpu.memory_space<vmem>>, vector<10000x16xf32>
    %add3A = arith.addf %div3A, %get3A_9 : vector<10000x16xf32>
    %swap3A = arith.constant 0 : index
    %swap3A_10 = arith.constant 0 : index
    %swap3A_11 = vector.load %arg3[%swap3A, %swap3A_10] : memref<10000x16xf32, #tpu.memory_space<vmem>>, vector<10000x16xf32>
    tpu.vector_store %arg3[%swap3A, %swap3A_10], %add3A {strides = array<i32>} : memref<10000x16xf32, #tpu.memory_space<vmem>>, vector<10000x16xf32>,
    return
  }
}

</mosaic_0001>

<sc_bundles>
// kernel: kernel.6.cloned.1.call-start
scs
__scs_entry_jumppad:
0x0: {  	(pc) =	sbr.rel $0x88, $3  }
0x1: {  	(tag) =	ssettag $0x0;
	lr =	simm.s32 $0x1  }
0x2: {  	[smem:$0x3F99] =	sst lr;
	_ =	strace $0xD0000000  }
0x3: {  	_ = 	snop  }
0x4: {  	_ = 	snop  }
0x5: {  	_ = 	snop  }
0x6: {  	_ = 	snop  }
0x7: {  	_ = 	snop  }
__scs_overlays_trampoline_lowered:
0x8: {  	[smem:$0x3FA8] =	sst s0  }
0x9: {  	[smem:$0x3FA9] =	sst s1  }
0xa: {  	[smem:$0x3FAA] =	sst s2  }
0xb: {  	[smem:$0x3FAB] =	sst s3  }
0xc: {  	[smem:$0x3FAC] =	sst s4  }
0xd: {  	[smem:$0x3FAD] =	sst s5  }
0xe: {  	[smem:$0x3FAE] =	sst s6  }
0xf: {  	[smem:$0x3FAF] =	sst s7  }
0x10: {  	[smem:$0x3FB0] =	sst s8  }
0x11: {  	[smem:$0x3FB1] =	sst s9;
	s0 =	simm.s32 @!p0 $0x0  }
0x12: {  	s1 =	sld [smem:$0x3F97];
	s0 =	simm.s32 @p0 $0x1  }
0x13: {  	[smem:$0x3FB2] =	sst s0;
	s0 =	simm.s32 @!p1 $0x0  }
0x14: {  	s2 =	sld [smem:$0x3F96];
	s0 =	simm.s32 @p1 $0x1  }
0x15: {  	[smem:$0x3FB3] =	sst s0;
	s0 =	simm.s32 @!p2 $0x0  }
0x16: {  	s3 =	sld [smem:$0x3FDB];
	s0 =	simm.s32 @p2 $0x1  }
0x17: {  	s4 =	simm.s32 $0x1BF5;
	[smem:$0x3FB5] =	sst s0  }
0x18: {  	s0 =	sld [smem:$0x3F98];
	_ =	swait.ge [sflag:s4], $0x0  }
0x19: {  	s7 =	sld [smem:$0x3F99]  }
0x1a: {  	s8 =	sadd.s32 $0xFFFFE003, lr  }
0x1b: {  	s9 =	sadd.s32 $0xFFFFFEF7, lr;
	s5 =	simm.s32 $0xFFFFFFFF;
	p2 =	slt.u32 s8, $0xFFFFF086  }
0x1c: {  	p1 =	slt.u32 s9, $0xF7A;
	s5 =	simm.s32 @!p2 $0x0  }
0x1d: {  	s5 =	simm.s32 @p1 $0x1;
	p0 =	seq.s32 s7, s2  }
0x1e: {  	s7 =	smul.u32 @!p0 $0xF7A, s2;
	p2 =	seq.s32 @!p0 s5, $0x0  }
0x1f: {  	s9 =	smul.u32 $0xF7A, s1;
	s8 =	simm.s32 @!p0 $0x1BF5;
	p2 =	por !p2, p0  }
0x20: {  	[sflag:s8] =	ssyncset.s32 @!p0 $0xFFFFF086;
	s6 =	sadd.s32 @!p0 s3, s7;
	s7 =	simm.s32 @!p0 $0x108  }
0x21: {  	s3 =	sadd.s32 s3, s9;
	s6 =	sadd.s32 @!p0 $0x88, s6;
	s7 =	simm.s32 @p2 $0x1082  }
0x22: {  	[simem:s7], [sflag:s8] =	dma.local @!p0 [hbm:s6], $0xF7A  }
0x23: {  	s9 =	sor.u32 $0xD0000000, s2;
	s6 =	simm.s32 $0x108;
	_ =	swait.ge @!p0 [sflag:s8], $0x0  }
0x24: {  	s3 =	sadd.s32 $0x88, s3;
	s6 =	simm.s32 @!p1 $0x1082;
	[sflag:s4] =	ssyncset.s32 $0xFFFFF086  }
0x25: {  	[simem:s6], [sflag:s4] =	dma.local [hbm:s3], $0xF7A  }
0x26: {  	[smem:$0x3F99] =	sst s1;
	(tag) =	ssettag s2;
	_ =	strace s9  }
0x27: {  	s1 =	sld [smem:$0x3FA9]  }
0x28: {  	s2 =	sld [smem:$0x3FAA]  }
0x29: {  	s4 =	sld [smem:$0x3FAC]  }
0x2a: {  	p0 =	seq.s32 s5, $0x0;
	s5 =	sld [smem:$0x3FAD]  }
0x2b: {  	s6 =	sld [smem:$0x3FAE]  }
0x2c: {  	s7 =	sld [smem:$0x3FAF]  }
0x2d: {  	s3 =	simm.s32 $0x108;
	s8 =	sld [smem:$0x3FB0]  }
0x2e: {  	s3 =	simm.s32 @!p0 $0x1082;
	s9 =	sld [smem:$0x3FB1]  }
0x2f: {  	lr =	sadd.s32 s0, s3;
	s0 =	sld [smem:$0x3FA8]  }
0x30: {  	s3 =	sld [smem:$0x3FAB]  }
0x31: {  	[smem:$0x3FB4] =	sst s10  }
0x32: {  	s10 =	sld [smem:$0x3FB2];
	_ =	sdelay $0x3  }
0x33: {  	p0 =	seq.s32 s10, $0x1;
	s10 =	sld [smem:$0x3FB4];
	_ =	sdelay $0x3  }
0x34: {  	[smem:$0x3FB4] =	sst s10  }
0x35: {  	s10 =	sld [smem:$0x3FB3];
	_ =	sdelay $0x3  }
0x36: {  	p1 =	seq.s32 s10, $0x1;
	s10 =	sld [smem:$0x3FB4];
	_ =	sdelay $0x3  }
0x37: {  	[smem:$0x3FB4] =	sst s10  }
0x38: {  	s10 =	sld [smem:$0x3FB5]  }
0x39: {  	_ = 	snop;
	(pc) =	sbr.ind lr, $3  }
0x3a: {  	_ = 	snop  }
0x3b: {  	_ = 	snop  }
0x3c: {  	p2 =	seq.s32 s10, $0x1;
	s10 =	sld [smem:$0x3FB4]  }
0x3d: {  	_ =	shalt  }
0x3e: {  	_ =	shalt  }
0x3f: {  	_ =	shalt  }
0x40: {  	_ =	shalt  }
0x41: {  	_ =	shalt  }
0x42: {  	_ =	shalt  }
0x43: {  	_ =	shalt  }
0x44: {  	_ =	shalt  }
0x45: {  	_ =	shalt  }
0x46: {  	_ =	shalt  }
0x47: {  	_ =	shalt  }
0x48: {  	_ =	shalt  }
0x49: {  	_ =	shalt  }
0x4a: {  	_ =	shalt  }
0x4b: {  	_ =	shalt  }
0x4c: {  	_ =	shalt  }
0x4d: {  	_ =	shalt  }
0x4e: {  	_ =	shalt  }
0x4f: {  	_ =	shalt  }
0x50: {  	_ =	shalt  }
0x51: {  	_ =	shalt  }
0x52: {  	_ =	shalt  }
0x53: {  	_ =	shalt  }
0x54: {  	_ =	shalt  }
0x55: {  	_ =	shalt  }
0x56: {  	_ =	shalt  }
0x57: {  	_ =	shalt  }
0x58: {  	_ =	shalt  }
0x59: {  	_ =	shalt  }
0x5a: {  	_ =	shalt  }
0x5b: {  	_ =	shalt  }
0x5c: {  	_ =	shalt  }
0x5d: {  	_ =	shalt  }
0x5e: {  	_ =	shalt  }
0x5f: {  	_ =	shalt  }
0x60: {  	_ =	shalt  }
0x61: {  	_ =	shalt  }
0x62: {  	_ =	shalt  }
0x63: {  	_ =	shalt  }
0x64: {  	_ =	shalt  }
0x65: {  	_ =	shalt  }
0x66: {  	_ =	shalt  }
0x67: {  	_ =	shalt  }
0x68: {  	_ =	shalt  }
0x69: {  	_ =	shalt  }
0x6a: {  	_ =	shalt  }
0x6b: {  	_ =	shalt  }
0x6c: {  	_ =	shalt  }
0x6d: {  	_ =	shalt  }
0x6e: {  	_ =	shalt  }
0x6f: {  	_ =	shalt  }
0x70: {  	_ =	shalt  }
0x71: {  	_ =	shalt  }
0x72: {  	_ =	shalt  }
0x73: {  	_ =	shalt  }
0x74: {  	_ =	shalt  }
0x75: {  	_ =	shalt  }
0x76: {  	_ =	shalt  }
0x77: {  	_ =	shalt  }
0x78: {  	_ =	shalt  }
0x79: {  	_ =	shalt  }
0x7a: {  	_ =	shalt  }
0x7b: {  	_ =	shalt  }
0x7c: {  	_ =	shalt  }
0x7d: {  	_ =	shalt  }
0x7e: {  	_ =	shalt  }
0x7f: {  	_ =	shalt  }
0x80: {  	_ =	shalt  }
0x81: {  	_ =	shalt  }
0x82: {  	_ =	shalt  }
0x83: {  	_ =	shalt  }
0x84: {  	_ =	shalt  }
0x85: {  	_ =	shalt  }
0x86: {  	_ =	shalt  }
0x87: {  	_ =	shalt  }
.Lfunc_end0:
.L_simem_size_0:
called_computation_lowered:
.L_overlay_start_0:
0x88: {  	s2 =	sld [smem:$0x3FD9]  }
0x89: {  	s3 =	sld [smem:$0x3FFE];
	_ =	sdelay $0x1  }
0x8a: {  	s1 =	srdreg.scid  }
0x8b: {  	s0 =	sand.u32 $0x1, s1  }
0x8c: {  	s17 =	sshll.u32 s0, $0xA;
	s2 =	sadd.s32 s3, s2  }
0x8d: {  	s2 =	sadd.s32 s2, s17  }
0x8e: {  	[smem:$0x3FC0] =	sst s2  }
0x8f: {  	_ = 	snop  }
0x90: {  	s2 =	sld [smem:$0x3FD0];
	(tm) =	ssettm $0x1  }
0x91: {  	s18 =	sld [smem:$0x3FFB];
	_ =	sdelay $0x3  }
0x92: {  	_ =	strace s18  }
0x93: {  	s3 =	sld [smem:$0x3FFC];
	_ =	sdelay $0x3  }
0x94: {  	_ =	strace s3  }
0x95: {  	s3 =	sld [smem:$0x3FFD];
	_ =	sdelay $0x3  }
0x96: {  	_ =	strace s3  }
0x97: {  	_ =	strace $0x8FFFFFFF  }
0x98: {  	s19 =	sld [smem:$0x3FDB];
	_ =	sdelay $0x1  }
0x99: {  	s4 =	simm.s32 $_scs_section_size  }
0x9a: {  	s5 =	simm.s32 $_size__tile_overlayer_lowered;
	s6 =	simm.s32 $_tile_overlayer_lowered  }
0x9b: {  	s22 =	simm.s32 $0x1BFF;
	s21 =	sshll.u32 s6, $0x1;
	s3 =	sadd.s32 s4, s19  }
0x9c: {  	s7 =	simm.s32 $0x0;
	s20 =	sshll.u32 s5, $0x1;
	s5 =	sadd.s32 s21, s3  }
0x9d: {  	[timem:s7], [sflag:s22] =	dma.local [hbm:s5], s20  }
0x9e: {  	_ =	swait.ge [sflag:s22], s20  }
0x9f: {  	s4 =	ssub.s32 $0x0, s20;
	[sflag:s22] =	ssyncset.done $0x0  }
0xa0: {  	[sflag:s22] =	ssyncadd.s32 s4;
	_ =	sdelay $0x1  }
0xa1: {  	s23 =	simm.s32 $0x1B8B  }
0xa2: {  	_ =	swait.ge [sflag:s23], $0x1  }
0xa3: {  	[sflag:s23] =	ssyncset.done $0x0  }
0xa4: {  	s25 =	simm.s32 $0x1B8E;
	s24 =	sld [smem:$0x3FFE];
	[sflag:s23] =	ssyncadd.s32 $0xFFFFFFFF  }
0xa5: {  	s26 =	simm.s32 $execute0_lowered;
	[smem:$0x3FD2] =	sst s25  }
0xa6: {  	s5 =	sshll.u32 s26, $0x1;
	_ =	strace $0x80000046;
	[dreg:$0x1] =	wrdreg $0xFFFFFFFF  }
0xa7: {  	s28 =	simm.s32 $_size_execute0_lowered;
	s3 =	sadd.s32 s3, s5;
	[dreg:$0x0] =	wrdreg $0x0  }
0xa8: {  	s5 =	sshll.u32 s28, $0x1;
	[dreg:$0x2] =	wrdreg s3  }
0xa9: {  	[dreg:$0x3] =	wrdreg s5  }
0xaa: {  	[dreg:$0x4] =	wrdreg $0xC0  }
0xab: {  	_ =	task [dreg:s7], $0x5FFFF  }
0xac: {  	[dreg:$0x1] =	wrdreg $0xFFFFFFFF  }
0xad: {  	[dreg:$0x0] =	wrdreg $0x60  }
0xae: {  	[dreg:$0x2] =	wrdreg s2  }
0xaf: {  	[dreg:$0x3] =	wrdreg s24  }
0xb0: {  	[dreg:$0x4] =	wrdreg $0x9  }
0xb1: {  	_ =	task.clear_ibuf [dreg:s7], $0x5FFFF;
	_ =	strace $0x90000046  }
0xb2: {  	s29 =	simm.s32 $0x9;
	_ =	strace $0x80000048  }
0xb3: {  	_ =	swait.ge [sflag:s29], $0x1  }
0xb4: {  	[sflag:s29] =	ssyncadd.s32 $0xFFFFFFFF  }
0xb5: {  	_ =	strace $0x90000048  }
0xb6: {  	_ =	sfence  }
0xb7: {  	s30 =	sld [smem:$0x0];
	_ =	sdelay $0x2  }
0xb8: {  	s31 =	sshll.u32 s1, $0xD;
	s1 =	sshrl.u32 s1, $0x2  }
0xb9: {  	s3 =	sand.u32 $0x4000, s31;
	s1 =	sadd.s32 s1, s30  }
0xba: {  	s0 =	sor.u32 s3, s0;
	s1 =	sshll.u32 s1, $0x11  }
0xbb: {  	s0 =	sor.u32 s1, s0  }
0xbc: {  	s0 =	sadd.s32 $0x8F2B, s0  }
0xbd: {  	[sflag:s0] =	ssyncadd.remote.s32 $0x1  }
0xbe: {  	_ =	sfence.sel $0xFFFF  }
0xbf: {  	[dreg:$0x0] =	wrdreg $0xFFFFFFFF;
	(pc) =	sbr.abs _section_cstart, $3  }
0xc0: {  	[dreg:$0x1] =	wrdreg $0xFFFFFFFF  }
0xc1: {  	_ =	task.clear_ibuf [dreg:s7], $0x2FFFF;
	_ =	strace $0x9FFFFFFF  }
0xc2: {  	(tm) =	ssettm $0x7FFFFFFF  }
0xc3: {  	_ =	shalt  }
tec
execute0_lowered:
.L_overlay_start_1:
0x0: {  	(tag) =	ssettag $0x1  }
0x1: {  	s2 =	rddreg [dreg:$0x0]  }
0x2: {  	s4 =	rddreg [dreg:$0x1]  }
0x3: {  	s0 =	rddreg [dreg:$0x2];
	s1 =	stileid.u32  }
0x4: {  	s5 =	srdreg.scid;
	s3 =	simm.s32 $0x0;
	s6 =	smul.u32 $0xA000, s1  }
0x5: {  	s10 =	simm.s32 $0x0;
	s5 =	sand.u32 $0x1, s5;
	s8 =	smul.u32 $0x14000, s1  }
0x6: {  	[smem:$0x7FF] =	sst s3;
	s7 =	smul.u32 $0x5000, s5;
	s9 =	ssub.s32 $0x2, s5  }
0x7: {  	_ =	strace $0x80000047;
	s5 =	smul.u32 $0xA000, s5;
	s31 =	sshrl.u32 s9, $0x1  }
0x8: {  	s8 =	sadd.s32 s8, s4;
	s6 =	sadd.s32 s7, s6;
	s7 =	ssub.s32 s9, s31  }
0x9: {  	s5 =	sadd.s32 s5, s8;
	s8 =	simm.s32 $0x800;
	s6 =	sshrl.u32 s6, $0x3  }
0xa: {  	s9 =	simm.s32 $0x1;
	s5 =	sadd.s32 $0x51A00, s5;
	s6 =	sadd.s32 s6, s4  }
0xb: {  	s4 =	smax.u32 s7, $0x1;
	s7 =	simm.s32 $0x2;
	s6 =	sadd.s32 $0x3DA00, s6  }
.LBB2_1:
0xc: {  	s11 =	sadd.s32 $0x0, s6  }
0xd: {  	[tilespmem:s3], [sflag:$0x2] =	stream.linear.gather [hbm4b:s11+s3], $0x800, $0x38;
	[tilespmem:$0x8800] =	vst v63  }
0xe: {  	_ =	swait.ge [sflag:s7], $0x800  }
0xf: {  	[sflag:s7] =	ssyncset.done $0x0  }
0x10: {  	[sflag:s7] =	ssyncadd.s32 $0xFFFFF800  }
0x11: {  	[tilespmem:s8], [sflag:$0x1] =	stream.indirect.gather [hbm4b:s2+s8], $0x10, s3, s8, $0xb8;
	[tilespmem:$0x8800] =	vst v63  }
0x12: {  	_ =	swait.ge [sflag:s9], $0x8000  }
0x13: {  	[sflag:s9] =	ssyncset.done $0x0  }
0x14: {  	[sflag:s9] =	ssyncadd.s32 $0xFFFF8000  }
0x15: {  	[hbm4b:s5+s3] =	stream.linear.scatter [tilespmem:s8], [sflag:$0x2], $0x8000, $0x38;
	[tilespmem:$0x8800] =	vst v63  }
0x16: {  	s12 =	simm.s32 $0x100;
	_ =	swait.ge [sflag:s7], $0x8000  }
0x17: {  	s13 =	simm.s32 $0x200;
	s11 =	sadd.s32 $0x1000, s5;
	[sflag:s7] =	ssyncset.done $0x0  }
.LBB2_2:
0x18: {  	s14 =	sadd.s32 s12, s6  }
0x19: {  	[sflag:s7] =	ssyncadd.s32 $0xFFFF8000;
	s12 =	smov.u32 s13;
	s15 =	sadd.s32 $0x100, s13  }
0x1a: {  	[tilespmem:s3], [sflag:$0x2] =	stream.linear.gather [hbm4b:s14+s3], $0x800, $0x38;
	[tilespmem:$0x8800] =	vst v63  }
0x1b: {  	p0 =	sne.s32 s13, $0x900;
	_ =	swait.ge [sflag:s7], $0x800  }
0x1c: {  	[sflag:s7] =	ssyncset.done $0x0  }
0x1d: {  	[sflag:s7] =	ssyncadd.s32 $0xFFFFF800  }
0x1e: {  	[tilespmem:s8], [sflag:$0x1] =	stream.indirect.gather [hbm4b:s2+s8], $0x10, s3, s8, $0xb8;
	[tilespmem:$0x8800] =	vst v63  }
0x1f: {  	_ =	swait.ge [sflag:s9], $0x8000  }
.Ltmp0:
0x20: {  	[sflag:s9] =	ssyncset.done $0x0;
	(pc) =	sbr.rel @p0 .LBB2_2-.Ltmp0, $4  }
0x21: {  	[sflag:s9] =	ssyncadd.s32 $0xFFFF8000  }
0x22: {  	[hbm4b:s11+s3] =	stream.linear.scatter [tilespmem:s8], [sflag:$0x2], $0x8000, $0x38;
	[tilespmem:$0x8800] =	vst v63  }
0x23: {  	_ =	swait.ge [sflag:s7], $0x8000  }
0x24: {  	s13 =	smov.u32 s15;
	s11 =	sadd.s32 $0x1000, s11;
	[sflag:s7] =	ssyncset.done $0x0  }
0x25: {  	s12 =	sadd.s32 s12, s6;
	[sflag:s7] =	ssyncadd.s32 $0xFFFF8000  }
0x26: {  	[tilespmem:s3], [sflag:$0x2] =	stream.linear.gather [hbm4b:s12+s3], $0x800, $0x38;
	[tilespmem:$0x8800] =	vst v63  }
0x27: {  	_ =	swait.ge [sflag:s7], $0x800  }
0x28: {  	[sflag:s7] =	ssyncset.done $0x0  }
0x29: {  	[sflag:s7] =	ssyncadd.s32 $0xFFFFF800  }
0x2a: {  	[tilespmem:s8], [sflag:$0x1] =	stream.indirect.gather [hbm4b:s2+s8], $0x10, s3, s8, $0xb8;
	[tilespmem:$0x8800] =	vst v63  }
0x2b: {  	s10 =	sadd.s32 $0x1, s10;
	_ =	swait.ge [sflag:s9], $0x8000  }
0x2c: {  	p0 =	sne.s32 s10, s4;
	[sflag:s9] =	ssyncset.done $0x0  }
.Ltmp1:
0x2d: {  	[sflag:s9] =	ssyncadd.s32 $0xFFFF8000;
	(pc) =	sbr.rel @p0 .LBB2_1-.Ltmp1, $4  }
0x2e: {  	[hbm4b:s11+s3] =	stream.linear.scatter [tilespmem:s8], [sflag:$0x2], $0x8000, $0x38;
	[tilespmem:$0x8800] =	vst v63  }
0x2f: {  	_ =	swait.ge [sflag:s7], $0x8000  }
0x30: {  	[sflag:s7] =	ssyncset.done $0x0  }
0x31: {  	[sflag:s7] =	ssyncadd.s32 $0xFFFF8000  }
0x32: {  	_ =	sfence.sel $0x180000  }
0x33: {  	[bflag:$0x0] =	sbarrier.arrive $0xFFFF  }
0x34: {  	p0 =	sne.s32 s1, $0x0;
	_ =	strace $0x90000047  }
0x35: {  	s0 =	sadd.s32 @!p0 $0x100000, s0;
	[bflag:$0x2] =	sbarrier.arrive $0xFFFF  }
0x36: {  	[sflag:s0] =	ssyncadd.tile.s32 @!p0 $0x1;
	_ =	shalt  }
.Lfunc_end2:
_tile_overlayer_lowered:
.L_overlay_start_2:
0x37: {  	(tag) =	ssettag $0x2  }
0x38: {  	s0 =	rddreg [dreg:$0x0];
	s2 =	stileid.u32  }
0x39: {  	s1 =	rddreg [dreg:$0x1];
	p0 =	sne.s32 s2, $0x0  }
0x3a: {  	s3 =	rddreg [dreg:$0x2];
	[bflag:$0x3] =	sbarrier.arrive $0xFFFF;
	s2 =	simm.s32 @!p0 $0x1C02  }
0x3b: {  	[timem:s3], [sflag:s2] =	dma.local @!p0 [hbm:s0], s1  }
0x3c: {  	s0 =	simm.s32 @!p0 $0x2  }
0x3d: {  	_ =	swait.ge @!p0 [sflag:s0], s1  }
0x3e: {  	s1 =	ssub.s32 @!p0 $0x0, s1;
	[sflag:s0] =	ssyncset.done @!p0 $0x0  }
0x3f: {  	[sflag:s0] =	ssyncadd.s32 @!p0 s1  }
0x40: {  	[bflag:$0x3] =	sbarrier.arrive $0xFFFF  }
0x41: {  	_ =	shalt  }

// kernel: kernel.9.cloned.1.call-start
scs
__scs_entry_jumppad:
0x0: {  	(pc) =	sbr.rel $0x88, $3  }
0x1: {  	(tag) =	ssettag $0x0;
	lr =	simm.s32 $0x1  }
0x2: {  	[smem:$0x3F99] =	sst lr;
	_ =	strace $0xD0000000  }
0x3: {  	_ = 	snop  }
0x4: {  	_ = 	snop  }
0x5: {  	_ = 	snop  }
0x6: {  	_ = 	snop  }
0x7: {  	_ = 	snop  }
__scs_overlays_trampoline_lowered:
0x8: {  	[smem:$0x3FA8] =	sst s0  }
0x9: {  	[smem:$0x3FA9] =	sst s1  }
0xa: {  	[smem:$0x3FAA] =	sst s2  }
0xb: {  	[smem:$0x3FAB] =	sst s3  }
0xc: {  	[smem:$0x3FAC] =	sst s4  }
0xd: {  	[smem:$0x3FAD] =	sst s5  }
0xe: {  	[smem:$0x3FAE] =	sst s6  }
0xf: {  	[smem:$0x3FAF] =	sst s7  }
0x10: {  	[smem:$0x3FB0] =	sst s8  }
0x11: {  	[smem:$0x3FB1] =	sst s9;
	s0 =	simm.s32 @!p0 $0x0  }
0x12: {  	s1 =	sld [smem:$0x3F97];
	s0 =	simm.s32 @p0 $0x1  }
0x13: {  	[smem:$0x3FB2] =	sst s0;
	s0 =	simm.s32 @!p1 $0x0  }
0x14: {  	s2 =	sld [smem:$0x3F96];
	s0 =	simm.s32 @p1 $0x1  }
0x15: {  	[smem:$0x3FB3] =	sst s0;
	s0 =	simm.s32 @!p2 $0x0  }
0x16: {  	s3 =	sld [smem:$0x3FDB];
	s0 =	simm.s32 @p2 $0x1  }
0x17: {  	s4 =	simm.s32 $0x1BF5;
	[smem:$0x3FB5] =	sst s0  }
0x18: {  	s0 =	sld [smem:$0x3F98];
	_ =	swait.ge [sflag:s4], $0x0  }
0x19: {  	s7 =	sld [smem:$0x3F99]  }
0x1a: {  	s8 =	sadd.s32 $0xFFFFE003, lr  }
0x1b: {  	s9 =	sadd.s32 $0xFFFFFEF7, lr;
	s5 =	simm.s32 $0xFFFFFFFF;
	p2 =	slt.u32 s8, $0xFFFFF086  }
0x1c: {  	p1 =	slt.u32 s9, $0xF7A;
	s5 =	simm.s32 @!p2 $0x0  }
0x1d: {  	s5 =	simm.s32 @p1 $0x1;
	p0 =	seq.s32 s7, s2  }
0x1e: {  	s7 =	smul.u32 @!p0 $0xF7A, s2;
	p2 =	seq.s32 @!p0 s5, $0x0  }
0x1f: {  	s9 =	smul.u32 $0xF7A, s1;
	s8 =	simm.s32 @!p0 $0x1BF5;
	p2 =	por !p2, p0  }
0x20: {  	[sflag:s8] =	ssyncset.s32 @!p0 $0xFFFFF086;
	s6 =	sadd.s32 @!p0 s3, s7;
	s7 =	simm.s32 @!p0 $0x108  }
0x21: {  	s3 =	sadd.s32 s3, s9;
	s6 =	sadd.s32 @!p0 $0x88, s6;
	s7 =	simm.s32 @p2 $0x1082  }
0x22: {  	[simem:s7], [sflag:s8] =	dma.local @!p0 [hbm:s6], $0xF7A  }
0x23: {  	s9 =	sor.u32 $0xD0000000, s2;
	s6 =	simm.s32 $0x108;
	_ =	swait.ge @!p0 [sflag:s8], $0x0  }
0x24: {  	s3 =	sadd.s32 $0x88, s3;
	s6 =	simm.s32 @!p1 $0x1082;
	[sflag:s4] =	ssyncset.s32 $0xFFFFF086  }
0x25: {  	[simem:s6], [sflag:s4] =	dma.local [hbm:s3], $0xF7A  }
0x26: {  	[smem:$0x3F99] =	sst s1;
	(tag) =	ssettag s2;
	_ =	strace s9  }
0x27: {  	s1 =	sld [smem:$0x3FA9]  }
0x28: {  	s2 =	sld [smem:$0x3FAA]  }
0x29: {  	s4 =	sld [smem:$0x3FAC]  }
0x2a: {  	p0 =	seq.s32 s5, $0x0;
	s5 =	sld [smem:$0x3FAD]  }
0x2b: {  	s6 =	sld [smem:$0x3FAE]  }
0x2c: {  	s7 =	sld [smem:$0x3FAF]  }
0x2d: {  	s3 =	simm.s32 $0x108;
	s8 =	sld [smem:$0x3FB0]  }
0x2e: {  	s3 =	simm.s32 @!p0 $0x1082;
	s9 =	sld [smem:$0x3FB1]  }
0x2f: {  	lr =	sadd.s32 s0, s3;
	s0 =	sld [smem:$0x3FA8]  }
0x30: {  	s3 =	sld [smem:$0x3FAB]  }
0x31: {  	[smem:$0x3FB4] =	sst s10  }
0x32: {  	s10 =	sld [smem:$0x3FB2];
	_ =	sdelay $0x3  }
0x33: {  	p0 =	seq.s32 s10, $0x1;
	s10 =	sld [smem:$0x3FB4];
	_ =	sdelay $0x3  }
0x34: {  	[smem:$0x3FB4] =	sst s10  }
0x35: {  	s10 =	sld [smem:$0x3FB3];
	_ =	sdelay $0x3  }
0x36: {  	p1 =	seq.s32 s10, $0x1;
	s10 =	sld [smem:$0x3FB4];
	_ =	sdelay $0x3  }
0x37: {  	[smem:$0x3FB4] =	sst s10  }
0x38: {  	s10 =	sld [smem:$0x3FB5]  }
0x39: {  	_ = 	snop;
	(pc) =	sbr.ind lr, $3  }
0x3a: {  	_ = 	snop  }
0x3b: {  	_ = 	snop  }
0x3c: {  	p2 =	seq.s32 s10, $0x1;
	s10 =	sld [smem:$0x3FB4]  }
0x3d: {  	_ =	shalt  }
0x3e: {  	_ =	shalt  }
0x3f: {  	_ =	shalt  }
0x40: {  	_ =	shalt  }
0x41: {  	_ =	shalt  }
0x42: {  	_ =	shalt  }
0x43: {  	_ =	shalt  }
0x44: {  	_ =	shalt  }
0x45: {  	_ =	shalt  }
0x46: {  	_ =	shalt  }
0x47: {  	_ =	shalt  }
0x48: {  	_ =	shalt  }
0x49: {  	_ =	shalt  }
0x4a: {  	_ =	shalt  }
0x4b: {  	_ =	shalt  }
0x4c: {  	_ =	shalt  }
0x4d: {  	_ =	shalt  }
0x4e: {  	_ =	shalt  }
0x4f: {  	_ =	shalt  }
0x50: {  	_ =	shalt  }
0x51: {  	_ =	shalt  }
0x52: {  	_ =	shalt  }
0x53: {  	_ =	shalt  }
0x54: {  	_ =	shalt  }
0x55: {  	_ =	shalt  }
0x56: {  	_ =	shalt  }
0x57: {  	_ =	shalt  }
0x58: {  	_ =	shalt  }
0x59: {  	_ =	shalt  }
0x5a: {  	_ =	shalt  }
0x5b: {  	_ =	shalt  }
0x5c: {  	_ =	shalt  }
0x5d: {  	_ =	shalt  }
0x5e: {  	_ =	shalt  }
0x5f: {  	_ =	shalt  }
0x60: {  	_ =	shalt  }
0x61: {  	_ =	shalt  }
0x62: {  	_ =	shalt  }
0x63: {  	_ =	shalt  }
0x64: {  	_ =	shalt  }
0x65: {  	_ =	shalt  }
0x66: {  	_ =	shalt  }
0x67: {  	_ =	shalt  }
0x68: {  	_ =	shalt  }
0x69: {  	_ =	shalt  }
0x6a: {  	_ =	shalt  }
0x6b: {  	_ =	shalt  }
0x6c: {  	_ =	shalt  }
0x6d: {  	_ =	shalt  }
0x6e: {  	_ =	shalt  }
0x6f: {  	_ =	shalt  }
0x70: {  	_ =	shalt  }
0x71: {  	_ =	shalt  }
0x72: {  	_ =	shalt  }
0x73: {  	_ =	shalt  }
0x74: {  	_ =	shalt  }
0x75: {  	_ =	shalt  }
0x76: {  	_ =	shalt  }
0x77: {  	_ =	shalt  }
0x78: {  	_ =	shalt  }
0x79: {  	_ =	shalt  }
0x7a: {  	_ =	shalt  }
0x7b: {  	_ =	shalt  }
0x7c: {  	_ =	shalt  }
0x7d: {  	_ =	shalt  }
0x7e: {  	_ =	shalt  }
0x7f: {  	_ =	shalt  }
0x80: {  	_ =	shalt  }
0x81: {  	_ =	shalt  }
0x82: {  	_ =	shalt  }
0x83: {  	_ =	shalt  }
0x84: {  	_ =	shalt  }
0x85: {  	_ =	shalt  }
0x86: {  	_ =	shalt  }
0x87: {  	_ =	shalt  }
.Lfunc_end0:
.L_simem_size_0:
called_computation.1_lowered:
.L_overlay_start_0:
0x88: {  	s2 =	sld [smem:$0x3FD9]  }
0x89: {  	s3 =	sld [smem:$0x3FFE];
	_ =	sdelay $0x1  }
0x8a: {  	s1 =	srdreg.scid  }
0x8b: {  	s0 =	sand.u32 $0x1, s1  }
0x8c: {  	s17 =	sshll.u32 s0, $0xA;
	s2 =	sadd.s32 s3, s2  }
0x8d: {  	s2 =	sadd.s32 s2, s17  }
0x8e: {  	[smem:$0x3FC0] =	sst s2  }
0x8f: {  	_ = 	snop  }
0x90: {  	s2 =	sld [smem:$0x3FD0];
	(tm) =	ssettm $0x1  }
0x91: {  	s18 =	sld [smem:$0x3FFB];
	_ =	sdelay $0x3  }
0x92: {  	_ =	strace s18  }
0x93: {  	s3 =	sld [smem:$0x3FFC];
	_ =	sdelay $0x3  }
0x94: {  	_ =	strace s3  }
0x95: {  	s3 =	sld [smem:$0x3FFD];
	_ =	sdelay $0x3  }
0x96: {  	_ =	strace s3  }
0x97: {  	_ =	strace $0x8FFFFFFF  }
0x98: {  	s19 =	sld [smem:$0x3FDB];
	_ =	sdelay $0x1  }
0x99: {  	s4 =	simm.s32 $_scs_section_size  }
0x9a: {  	s5 =	simm.s32 $_size__tile_overlayer_lowered;
	s6 =	simm.s32 $_tile_overlayer_lowered  }
0x9b: {  	s22 =	simm.s32 $0x1BFF;
	s21 =	sshll.u32 s6, $0x1;
	s3 =	sadd.s32 s4, s19  }
0x9c: {  	s7 =	simm.s32 $0x0;
	s20 =	sshll.u32 s5, $0x1;
	s5 =	sadd.s32 s21, s3  }
0x9d: {  	[timem:s7], [sflag:s22] =	dma.local [hbm:s5], s20  }
0x9e: {  	_ =	swait.ge [sflag:s22], s20  }
0x9f: {  	s4 =	ssub.s32 $0x0, s20;
	[sflag:s22] =	ssyncset.done $0x0  }
0xa0: {  	[sflag:s22] =	ssyncadd.s32 s4;
	_ =	sdelay $0x1  }
0xa1: {  	s23 =	simm.s32 $0x1B8B  }
0xa2: {  	_ =	swait.ge [sflag:s23], $0x1  }
0xa3: {  	[sflag:s23] =	ssyncset.done $0x0  }
0xa4: {  	s25 =	simm.s32 $0x1B8E;
	s24 =	sld [smem:$0x3FFE];
	[sflag:s23] =	ssyncadd.s32 $0xFFFFFFFF  }
0xa5: {  	s26 =	simm.s32 $execute0_lowered;
	[smem:$0x3FD2] =	sst s25  }
0xa6: {  	s5 =	sshll.u32 s26, $0x1;
	_ =	strace $0x80000049;
	[dreg:$0x1] =	wrdreg $0xFFFFFFFF  }
0xa7: {  	s28 =	simm.s32 $_size_execute0_lowered;
	s3 =	sadd.s32 s3, s5;
	[dreg:$0x0] =	wrdreg $0x0  }
0xa8: {  	s5 =	sshll.u32 s28, $0x1;
	[dreg:$0x2] =	wrdreg s3  }
0xa9: {  	[dreg:$0x3] =	wrdreg s5  }
0xaa: {  	[dreg:$0x4] =	wrdreg $0xC0  }
0xab: {  	_ =	task [dreg:s7], $0x5FFFF  }
0xac: {  	[dreg:$0x1] =	wrdreg $0xFFFFFFFF  }
0xad: {  	[dreg:$0x0] =	wrdreg $0x60  }
0xae: {  	[dreg:$0x2] =	wrdreg s24  }
0xaf: {  	[dreg:$0x3] =	wrdreg s2  }
0xb0: {  	[dreg:$0x4] =	wrdreg $0x108000  }
0xb1: {  	[dreg:$0x5] =	wrdreg $0x12F200  }
0xb2: {  	[dreg:$0x6] =	wrdreg $0x9  }
0xb3: {  	_ =	task.clear_ibuf [dreg:s7], $0x7FFFF;
	_ =	strace $0x90000049  }
0xb4: {  	s29 =	simm.s32 $0x9;
	_ =	strace $0x8000004B  }
0xb5: {  	_ =	swait.ge [sflag:s29], $0x1  }
0xb6: {  	[sflag:s29] =	ssyncadd.s32 $0xFFFFFFFF  }
0xb7: {  	_ =	strace $0x9000004B  }
0xb8: {  	_ =	sfence  }
0xb9: {  	s30 =	sld [smem:$0x0];
	_ =	sdelay $0x2  }
0xba: {  	s31 =	sshll.u32 s1, $0xD;
	s1 =	sshrl.u32 s1, $0x2  }
0xbb: {  	s3 =	sand.u32 $0x4000, s31;
	s1 =	sadd.s32 s1, s30  }
0xbc: {  	s0 =	sor.u32 s3, s0;
	s1 =	sshll.u32 s1, $0x11  }
0xbd: {  	s0 =	sor.u32 s1, s0  }
0xbe: {  	s0 =	sadd.s32 $0x8F2B, s0  }
0xbf: {  	[sflag:s0] =	ssyncadd.remote.s32 $0x1  }
0xc0: {  	_ =	sfence.sel $0xFFFF  }
0xc1: {  	[dreg:$0x0] =	wrdreg $0xFFFFFFFF;
	(pc) =	sbr.abs _section_cstart, $3  }
0xc2: {  	[dreg:$0x1] =	wrdreg $0xFFFFFFFF  }
0xc3: {  	_ =	task.clear_ibuf [dreg:s7], $0x2FFFF;
	_ =	strace $0x9FFFFFFF  }
0xc4: {  	(tm) =	ssettm $0x7FFFFFFF  }
0xc5: {  	_ =	shalt  }
tec
execute0_lowered:
.L_overlay_start_1:
0x0: {  	(tag) =	ssettag $0x1  }
0x1: {  	s6 =	rddreg [dreg:$0x0]  }
0x2: {  	s7 =	rddreg [dreg:$0x1];
	s0 =	stileid.u32  }
0x3: {  	s1 =	srdreg.scid;
	s2 =	rddreg [dreg:$0x2]  }
0x4: {  	s3 =	rddreg [dreg:$0x3];
	s5 =	smul.u32 $0x14000, s0  }
0x5: {  	s4 =	simm.s32 $0x0;
	s17 =	simm.s32 $0x800;
	s9 =	smul.u32 $0xA000, s0  }
0x6: {  	s8 =	sand.u32 $0x1, s1;
	s1 =	rddreg [dreg:$0x4];
	s11 =	smul.u32 $0x2720, s0  }
0x7: {  	s18 =	simm.s32 $0x0;
	[smem:$0x7FF] =	sst s4;
	s10 =	smul.u32 $0x5000, s8  }
0x8: {  	s15 =	sshll.u32 s0, $0x6;
	s23 =	smul.u32 $0x27200, s8;
	_ =	strace $0x8000004A  }
0x9: {  	s26 =	ssub.s32 $0x2, s8;
	s16 =	smul.u32 $0xA000, s8;
	s12 =	sadd.s32 s5, s6  }
0xa: {  	s5 =	sadd.s32 $0x2E00, s6;
	s14 =	sshrl.u32 s26, $0x1;
	s28 =	sadd.s32 s11, s2  }
0xb: {  	s29 =	sshrl.u32 s11, $0x3;
	s30 =	sadd.s32 s11, s3;
	s9 =	sadd.s32 s10, s9  }
0xc: {  	s25 =	sadd.s32 s11, s23;
	s10 =	ssub.s32 s26, s14;
	s31 =	sadd.s32 s16, s12  }
0xd: {  	s14 =	simm.s32 $0x1;
	s16 =	simm.s32 $0x8800;
	s24 =	sshrl.u32 s9, $0x3  }
0xe: {  	s9 =	sshrl.u32 s25, $0x3;
	s10 =	smax.u32 s10, $0x1;
	s11 =	sadd.s32 $0x104BA00, s31  }
0xf: {  	s13 =	sadd.s32 s24, s6;
	s9 =	sadd.s32 s9, s6;
	s6 =	sadd.s32 s7, s29  }
0x10: {  	s7 =	sor.u32 $0x1C01, s15;
	s15 =	sshrl.u32 s30, $0x3;
	s8 =	sadd.s32 $0x3DA00, s9  }
0x11: {  	s9 =	sadd.s32 $0x3E00, s9;
	s12 =	sadd.s32 $0x1037A00, s13;
	s13 =	sshrl.u32 s28, $0x3  }
.LBB2_1:
0x12: {  	[spmem:s13], [sflag:s7] =	dma.local [hbm:s6], $0x4E4  }
0x13: {  	_ =	swait.ge [sflag:s14], $0x4E4  }
0x14: {  	[sflag:s14] =	ssyncset.done $0x0  }
0x15: {  	[sflag:s14] =	ssyncadd.s32 $0xFFFFFB1C  }
0x16: {  	[spmem:s15], [sflag:s7] =	dma.local [hbm:s6], $0x4E4  }
0x17: {  	_ =	swait.ge [sflag:s14], $0x4E4  }
0x18: {  	[sflag:s14] =	ssyncset.done $0x0  }
0x19: {  	[sflag:s14] =	ssyncadd.s32 $0xFFFFFB1C  }
0x1a: {  	[tilespmem:s16], [sflag:$0x1] =	stream.linear.gather [hbm4b:s5+s4], $0x8000, $0x38;
	[tilespmem:$0x15640] =	vst v63  }
0x1b: {  	_ =	swait.ge [sflag:s14], $0x8000  }
0x1c: {  	[sflag:s14] =	ssyncset.done $0x0  }
0x1d: {  	[sflag:s14] =	ssyncadd.s32 $0xFFFF8000  }
0x1e: {  	s19 =	sadd.s32 $0x0, s12;
	[bflag:$0x0] =	sbarrier.arrive $0xFFFF  }
0x1f: {  	[tilespmem:s4], [sflag:$0x1] =	stream.linear.gather [hbm4b:s19+s4], $0x800, $0x38;
	[tilespmem:$0x15640] =	vst v63  }
0x20: {  	_ =	swait.ge [sflag:s14], $0x800  }
0x21: {  	[sflag:s14] =	ssyncset.done $0x0  }
0x22: {  	[sflag:s14] =	ssyncadd.s32 $0xFFFFF800  }
0x23: {  	[tilespmem:s17], [sflag:$0x1] =	stream.linear.gather [hbm4b:s11+s4], $0x8000, $0x38;
	[tilespmem:$0x15640] =	vst v63  }
0x24: {  	_ =	swait.ge [sflag:s14], $0x8000  }
0x25: {  	[sflag:s14] =	ssyncset.done $0x0  }
0x26: {  	[sflag:s14] =	ssyncadd.s32 $0xFFFF8000  }
0x27: {  	[spmem:s2] =	stream.indirect.scatter.add.f32 [tilespmem:s17], [sflag:$0x1], $0x10, s4, s17, $0xb8;
	[tilespmem:$0x15640] =	vst v63  }
0x28: {  	_ =	swait.ge [sflag:s14], $0x8000  }
0x29: {  	[sflag:s14] =	ssyncset.done $0x0  }
0x2a: {  	[sflag:s14] =	ssyncadd.s32 $0xFFFF8000  }
0x2b: {  	[spmem:s3] =	stream.indirect.scatter.add.f32 [tilespmem:s16], [sflag:$0x1], $0x10, s4, s17, $0xb8;
	[tilespmem:$0x15640] =	vst v63  }
0x2c: {  	s20 =	simm.s32 $0x100;
	_ =	swait.ge [sflag:s14], $0x8000  }
0x2d: {  	s21 =	simm.s32 $0x200;
	s19 =	sadd.s32 $0x1000, s11;
	[sflag:s14] =	ssyncset.done $0x0  }
.LBB2_2:
0x2e: {  	s22 =	sadd.s32 s20, s12  }
0x2f: {  	[sflag:s14] =	ssyncadd.s32 $0xFFFF8000;
	s20 =	smov.u32 s21;
	s23 =	sadd.s32 $0x100, s21  }
0x30: {  	[tilespmem:s4], [sflag:$0x1] =	stream.linear.gather [hbm4b:s22+s4], $0x800, $0x38;
	[tilespmem:$0x15640] =	vst v63  }
0x31: {  	p0 =	sne.s32 s21, $0x900;
	_ =	swait.ge [sflag:s14], $0x800  }
0x32: {  	[sflag:s14] =	ssyncset.done $0x0  }
0x33: {  	[sflag:s14] =	ssyncadd.s32 $0xFFFFF800  }
0x34: {  	[tilespmem:s17], [sflag:$0x1] =	stream.linear.gather [hbm4b:s19+s4], $0x8000, $0x38;
	[tilespmem:$0x15640] =	vst v63  }
0x35: {  	_ =	swait.ge [sflag:s14], $0x8000  }
0x36: {  	[sflag:s14] =	ssyncset.done $0x0  }
0x37: {  	[sflag:s14] =	ssyncadd.s32 $0xFFFF8000  }
0x38: {  	[spmem:s2] =	stream.indirect.scatter.add.f32 [tilespmem:s17], [sflag:$0x1], $0x10, s4, s17, $0xb8;
	[tilespmem:$0x15640] =	vst v63  }
0x39: {  	_ =	swait.ge [sflag:s14], $0x8000  }
.Ltmp0:
0x3a: {  	[sflag:s14] =	ssyncset.done $0x0;
	(pc) =	sbr.rel @p0 .LBB2_2-.Ltmp0, $4  }
0x3b: {  	[sflag:s14] =	ssyncadd.s32 $0xFFFF8000  }
0x3c: {  	[spmem:s3] =	stream.indirect.scatter.add.f32 [tilespmem:s16], [sflag:$0x1], $0x10, s4, s17, $0xb8;
	[tilespmem:$0x15640] =	vst v63  }
0x3d: {  	_ =	swait.ge [sflag:s14], $0x8000  }
0x3e: {  	s21 =	smov.u32 s23;
	s19 =	sadd.s32 $0x1000, s19;
	[sflag:s14] =	ssyncset.done $0x0  }
0x3f: {  	s20 =	sadd.s32 s20, s12;
	[sflag:s14] =	ssyncadd.s32 $0xFFFF8000  }
0x40: {  	[tilespmem:s4], [sflag:$0x1] =	stream.linear.gather [hbm4b:s20+s4], $0x800, $0x38;
	[tilespmem:$0x15640] =	vst v63  }
0x41: {  	_ =	swait.ge [sflag:s14], $0x800  }
0x42: {  	[sflag:s14] =	ssyncset.done $0x0  }
0x43: {  	[sflag:s14] =	ssyncadd.s32 $0xFFFFF800  }
0x44: {  	[tilespmem:s17], [sflag:$0x1] =	stream.linear.gather [hbm4b:s19+s4], $0x8000, $0x38;
	[tilespmem:$0x15640] =	vst v63  }
0x45: {  	_ =	swait.ge [sflag:s14], $0x8000  }
0x46: {  	[sflag:s14] =	ssyncset.done $0x0  }
0x47: {  	[sflag:s14] =	ssyncadd.s32 $0xFFFF8000  }
0x48: {  	[spmem:s2] =	stream.indirect.scatter.add.f32 [tilespmem:s17], [sflag:$0x1], $0x10, s4, s17, $0xb8;
	[tilespmem:$0x15640] =	vst v63  }
0x49: {  	_ =	swait.ge [sflag:s14], $0x8000  }
0x4a: {  	[sflag:s14] =	ssyncset.done $0x0  }
0x4b: {  	[sflag:s14] =	ssyncadd.s32 $0xFFFF8000  }
0x4c: {  	[spmem:s3] =	stream.indirect.scatter.add.f32 [tilespmem:s16], [sflag:$0x1], $0x10, s4, s17, $0xb8;
	[tilespmem:$0x15640] =	vst v63  }
0x4d: {  	_ =	swait.ge [sflag:s14], $0x8000  }
0x4e: {  	[sflag:s14] =	ssyncset.done $0x0  }
0x4f: {  	[sflag:s14] =	ssyncadd.s32 $0xFFFF8000  }
0x50: {  	[bflag:$0x0] =	sbarrier.arrive $0xFFFF  }
0x51: {  	[hbm:s8], [sflag:s7] =	dma.local [spmem:s13], $0x4E4  }
0x52: {  	s18 =	sadd.s32 $0x1, s18;
	_ =	swait.ge [sflag:s14], $0x4E4  }
0x53: {  	p0 =	sne.s32 s18, s10;
	[sflag:s14] =	ssyncset.done $0x0  }
.Ltmp1:
0x54: {  	[sflag:s14] =	ssyncadd.s32 $0xFFFFFB1C;
	(pc) =	sbr.rel @p0 .LBB2_1-.Ltmp1, $4  }
0x55: {  	[hbm:s9], [sflag:s7] =	dma.local [spmem:s15], $0x4E4  }
0x56: {  	_ =	swait.ge [sflag:s14], $0x4E4  }
0x57: {  	[sflag:s14] =	ssyncset.done $0x0  }
0x58: {  	[sflag:s14] =	ssyncadd.s32 $0xFFFFFB1C  }
0x59: {  	_ =	sfence.sel $0x180000  }
0x5a: {  	[bflag:$0x0] =	sbarrier.arrive $0xFFFF  }
0x5b: {  	p0 =	sne.s32 s0, $0x0;
	_ =	strace $0x9000004A  }
0x5c: {  	s0 =	sadd.s32 @!p0 $0x100000, s1;
	[bflag:$0x2] =	sbarrier.arrive $0xFFFF  }
0x5d: {  	[sflag:s0] =	ssyncadd.tile.s32 @!p0 $0x1;
	_ =	shalt  }
.Lfunc_end2:
_tile_overlayer_lowered:
.L_overlay_start_2:
0x5e: {  	(tag) =	ssettag $0x2  }
0x5f: {  	s0 =	rddreg [dreg:$0x0];
	s2 =	stileid.u32  }
0x60: {  	s1 =	rddreg [dreg:$0x1];
	p0 =	sne.s32 s2, $0x0  }
0x61: {  	s3 =	rddreg [dreg:$0x2];
	[bflag:$0x3] =	sbarrier.arrive $0xFFFF;
	s2 =	simm.s32 @!p0 $0x1C01  }
0x62: {  	[timem:s3], [sflag:s2] =	dma.local @!p0 [hbm:s0], s1  }
0x63: {  	s0 =	simm.s32 @!p0 $0x1  }
0x64: {  	_ =	swait.ge @!p0 [sflag:s0], s1  }
0x65: {  	s1 =	ssub.s32 @!p0 $0x0, s1;
	[sflag:s0] =	ssyncset.done @!p0 $0x0  }
0x66: {  	[sflag:s0] =	ssyncadd.s32 @!p0 s1  }
0x67: {  	[bflag:$0x3] =	sbarrier.arrive $0xFFFF  }
0x68: {  	_ =	shalt  }

</sc_bundles>
